<compile_context>
chip_gen: v7x
topology: tpu7x:2x2x1
jax: 0.10.2.dev20260603
libtpu: 0.0.44.dev20260713+nightly
codegen_flags: <defaults>
</compile_context>

<pallas_src>
import functools

import jax
import jax.numpy as jnp
from jax import lax
from jax.experimental import pallas as pl
from jax.experimental.pallas import tpu as pltpu
from jax.experimental.pallas import tpu_sc as plsc

M = 1000000
N = 1000000
K = 16
B = 16384

_NC = 2
_NS = 16
_NW = _NC * _NS
_BPW = B // _NW
_CH = 16


def _funk_body(uid, iid, uembT, ubias, iembT, ibias, bias128, outT,
               uidx_v, iidx_v, wu_v, wi_v, ub_v, ib_v, bias_v, out_t, sem):
  wid = lax.axis_index("s") * _NC + lax.axis_index("c")
  base = wid * _BPW

  pltpu.sync_copy(uid.at[pl.ds(base, _BPW)], uidx_v)
  pltpu.sync_copy(iid.at[pl.ds(base, _BPW)], iidx_v)
  pltpu.sync_copy(bias128, bias_v)

  bcp1 = pltpu.async_copy(ubias.at[uidx_v], ub_v, sem)
  bcp2 = pltpu.async_copy(ibias.at[iidx_v], ib_v, sem)
  bcp1.wait()
  bcp2.wait()

  bvec = bias_v[pl.ds(0, 16)]
  lanes = lax.iota(jnp.int32, 16)

  def chunk(c, carry):
    s0 = c * _CH
    uidx16 = uidx_v[pl.ds(s0, 16)]
    iidx16 = iidx_v[pl.ds(s0, 16)]
    jw_u = lax.shift_right_logical(uidx16, 7)
    jw_i = lax.shift_right_logical(iidx16, 7)
    r_u = lax.bitwise_and(uidx16, 127)
    r_i = lax.bitwise_and(iidx16, 127)

    cps = []
    for lane in range(_CH):
      cu = jw_u[lane] * 128
      ci = jw_i[lane] * 128
      cps.append(pltpu.async_copy(
          uembT.at[:, pl.ds(cu, 128)], wu_v.at[lane], sem))
      cps.append(pltpu.async_copy(
          iembT.at[:, pl.ds(ci, 128)], wi_v.at[lane], sem))
    for cp in cps:
      cp.wait()

    ub16 = ub_v[pl.ds(s0, 16)]
    ib16 = ib_v[pl.ds(s0, 16)]
    for k in range(K):
      s = jnp.full((16,), k, jnp.int32)
      ue_k = plsc.load_gather(wu_v, [lanes, s, r_u])
      ie_k = plsc.load_gather(wi_v, [lanes, s, r_i])
      out_t[k, pl.ds(s0, 16)] = (ue_k + ub16) * (ie_k + ib16) + bvec
    return carry

  lax.fori_loop(0, _BPW // _CH, chunk, 0)

  pltpu.sync_copy(out_t, outT.at[:, pl.ds(base, _BPW)])


@functools.partial(
    pl.kernel,
    out_type=jax.ShapeDtypeStruct((K, B), jnp.float32),
    mesh=plsc.VectorSubcoreMesh(core_axis_name="c", subcore_axis_name="s"),
    scratch_types=[
        pltpu.VMEM((_BPW,), jnp.int32),
        pltpu.VMEM((_BPW,), jnp.int32),
        pltpu.VMEM((_CH, 16, 128), jnp.float32),
        pltpu.VMEM((_CH, 16, 128), jnp.float32),
        pltpu.VMEM((_BPW,), jnp.float32),
        pltpu.VMEM((_BPW,), jnp.float32),
        pltpu.VMEM((128,), jnp.float32),
        pltpu.VMEM((K, _BPW), jnp.float32),
        pltpu.SemaphoreType.DMA,
    ],
    compiler_params=pltpu.CompilerParams(needs_layout_passes=False),
)
def _funk(*args):
  _funk_body(*args)


def kernel(user_id, item_id, user_emb, user_bias, item_emb, item_bias, bias):
  bias128 = jnp.broadcast_to(bias.astype(jnp.float32), (128,))
  outT = _funk(user_id.astype(jnp.int32), item_id.astype(jnp.int32),
               user_emb.T, user_bias, item_emb.T, item_bias, bias128)
  return outT.T

# --- scband reference (transcript-rebuilt; emitter-appended) ---
"""Pipeline reference for scband-funk-svd-80917183857214 (READ-ONLY COPY).

The authoritative reference and input builder live on the scoring server;
editing this copy changes nothing except your own understanding.
"""

import jax, jax.numpy as jnp
import numpy as np

M = 1000000
N = 1000000
K = 16
B = 16384

def setup_inputs(seed: int = 0) -> dict:
    key = jax.random.key(seed)
    k1, k2, k3, k4, k5, k6, k7 = jax.random.split(key, 7)
    user_id = jax.random.randint(k1, (B,), 0, M, dtype=jnp.int64) if jax.config.jax_enable_x64 else jax.random.randint(k1, (B,), 0, M, dtype=jnp.int32)
    item_id = jax.random.randint(k2, (B,), 0, N, dtype=jnp.int64) if jax.config.jax_enable_x64 else jax.random.randint(k2, (B,), 0, N, dtype=jnp.int32)
    user_emb = jax.random.normal(k3, (M, K), dtype=jnp.float32)
    user_bias = jax.random.normal(k4, (M,), dtype=jnp.float32)
    item_emb = jax.random.normal(k5, (N, K), dtype=jnp.float32)
    item_bias = jax.random.normal(k6, (N,), dtype=jnp.float32)
    bias = jnp.zeros((1,), dtype=jnp.float32)
    return {"user_id": user_id, "item_id": item_id, "user_emb": user_emb, "user_bias": user_bias, "item_emb": item_emb, "item_bias": item_bias, "bias": bias}

def reference(user_id, item_id, user_emb, user_bias, item_emb, item_bias, bias):
    # gather rows (embedding lookup)
    u_e = jnp.take(user_emb, user_id, axis=0)          # [B, K]
    u_b = jnp.take(user_bias, user_id, axis=0)[:, None]  # [B, 1]
    i_e = jnp.take(item_emb, item_id, axis=0)          # [B, K]
    i_b = jnp.take(item_bias, item_id, axis=0)[:, None]  # [B, 1]
    pred = (u_e + u_b) * (i_e + i_b) + bias
    return pred

if __name__ == "__main__":
    import jax
    _d = setup_inputs()
    print(jax.jit(kernel)(*tuple(_d.values())))

</pallas_src>

<mosaic_0001>
#map = affine_map<(d0, d1) -> (0)>
#map1 = affine_map<(d0, d1) -> (0, 0)>
module attributes {stable_mosaic.version = 14 : i64} {
  func.func @_funk(%arg0: i32, %arg1: i32, %arg2: memref<16384xi32, #tpu.memory_space<hbm>>, %arg3: memref<16384xi32, #tpu.memory_space<hbm>>, %arg4: memref<16x1000000xf32, #tpu.memory_space<hbm>>, %arg5: memref<1000000xf32, #tpu.memory_space<hbm>>, %arg6: memref<16x1000000xf32, #tpu.memory_space<hbm>>, %arg7: memref<1000000xf32, #tpu.memory_space<hbm>>, %arg8: memref<128xf32, #tpu.memory_space<hbm>>, %arg9: memref<16x16384xf32, #tpu.memory_space<hbm>>, %arg10: memref<512xi32, #tpu.memory_space<vmem>>, %arg11: memref<512xi32, #tpu.memory_space<vmem>>, %arg12: memref<16x16x128xf32, #tpu.memory_space<vmem>>, %arg13: memref<16x16x128xf32, #tpu.memory_space<vmem>>, %arg14: memref<512xf32, #tpu.memory_space<vmem>>, %arg15: memref<512xf32, #tpu.memory_space<vmem>>, %arg16: memref<128xf32, #tpu.memory_space<vmem>>, %arg17: memref<16x512xf32, #tpu.memory_space<vmem>>, %arg18: memref<!tpu.dma_semaphore, #tpu.memory_space<semaphore_mem>>) attributes {dimension_semantics = [#tpu.dimension_semantics<core_parallel>, #tpu.dimension_semantics<subcore_parallel>], iteration_bounds = array<i64: 2, 16>, scalar_prefetch = 0 : i64, scratch_operands = 9 : i64, tpu.core_type = #tpu.core_type<sc_vector_subcore>, window_params = [{transform_indices = #map}, {transform_indices = #map}, {transform_indices = #map1}, {transform_indices = #map}, {transform_indices = #map1}, {transform_indices = #map}, {transform_indices = #map}, {transform_indices = #map1}]} {
    %mul3A = arith.constant 2 : i32
    %mul3A_0 = arith.muli %arg1, %mul3A : i32
    %add3A = arith.addi %mul3A_0, %arg0 : i32
    %mul3A_1 = arith.constant 512 : i32
    %mul3A_2 = arith.muli %add3A, %mul3A_1 : i32
    "tpu.region"() ({
      %run_scoped3A = tpu.sem_alloc : memref<!tpu.dma_semaphore, #tpu.memory_space<semaphore_mem>>
      %dma_start3A_15 = tpu.memref_slice %arg2[%mul3A_2] : memref<16384xi32, #tpu.memory_space<hbm>> -> memref<512xi32, #tpu.memory_space<hbm>>
      %dma_start3A_16 = tpu.memref_slice %arg2[%mul3A_2] : memref<16384xi32, #tpu.memory_space<hbm>> -> memref<512xi32, #tpu.memory_space<hbm>>
      tpu.enqueue_dma source(%dma_start3A_16 : memref<512xi32, #tpu.memory_space<hbm>>) target(%arg10 : memref<512xi32, #tpu.memory_space<vmem>>) target_semaphore(%run_scoped3A : memref<!tpu.dma_semaphore, #tpu.memory_space<semaphore_mem>>)
      %dma_wait3A_17 = tpu.memref_slice %arg2[%mul3A_2] : memref<16384xi32, #tpu.memory_space<hbm>> -> memref<512xi32, #tpu.memory_space<hbm>>
      %dma_wait3A_18 = tpu.memref_slice %arg2[%mul3A_2] : memref<16384xi32, #tpu.memory_space<hbm>> -> memref<512xi32, #tpu.memory_space<hbm>>
      tpu.wait_dma2 semaphore(%run_scoped3A : memref<!tpu.dma_semaphore, #tpu.memory_space<semaphore_mem>>) src(%dma_wait3A_18 : memref<512xi32, #tpu.memory_space<hbm>>) dst(%arg10 : memref<512xi32, #tpu.memory_space<vmem>>)
      tpu.yield
    }) : () -> ()
    "tpu.region"() ({
      %run_scoped3A = tpu.sem_alloc : memref<!tpu.dma_semaphore, #tpu.memory_space<semaphore_mem>>
      %dma_start3A_15 = tpu.memref_slice %arg3[%mul3A_2] : memref<16384xi32, #tpu.memory_space<hbm>> -> memref<512xi32, #tpu.memory_space<hbm>>
      %dma_start3A_16 = tpu.memref_slice %arg3[%mul3A_2] : memref<16384xi32, #tpu.memory_space<hbm>> -> memref<512xi32, #tpu.memory_space<hbm>>
      tpu.enqueue_dma source(%dma_start3A_16 : memref<512xi32, #tpu.memory_space<hbm>>) target(%arg11 : memref<512xi32, #tpu.memory_space<vmem>>) target_semaphore(%run_scoped3A : memref<!tpu.dma_semaphore, #tpu.memory_space<semaphore_mem>>)
      %dma_wait3A_17 = tpu.memref_slice %arg3[%mul3A_2] : memref<16384xi32, #tpu.memory_space<hbm>> -> memref<512xi32, #tpu.memory_space<hbm>>
      %dma_wait3A_18 = tpu.memref_slice %arg3[%mul3A_2] : memref<16384xi32, #tpu.memory_space<hbm>> -> memref<512xi32, #tpu.memory_space<hbm>>
      tpu.wait_dma2 semaphore(%run_scoped3A : memref<!tpu.dma_semaphore, #tpu.memory_space<semaphore_mem>>) src(%dma_wait3A_18 : memref<512xi32, #tpu.memory_space<hbm>>) dst(%arg11 : memref<512xi32, #tpu.memory_space<vmem>>)
      tpu.yield
    }) : () -> ()
    "tpu.region"() ({
      %run_scoped3A = tpu.sem_alloc : memref<!tpu.dma_semaphore, #tpu.memory_space<semaphore_mem>>
      tpu.enqueue_dma source(%arg8 : memref<128xf32, #tpu.memory_space<hbm>>) target(%arg16 : memref<128xf32, #tpu.memory_space<vmem>>) target_semaphore(%run_scoped3A : memref<!tpu.dma_semaphore, #tpu.memory_space<semaphore_mem>>)
      tpu.wait_dma2 semaphore(%run_scoped3A : memref<!tpu.dma_semaphore, #tpu.memory_space<semaphore_mem>>) src(%arg8 : memref<128xf32, #tpu.memory_space<hbm>>) dst(%arg16 : memref<128xf32, #tpu.memory_space<vmem>>)
      tpu.yield
    }) : () -> ()
    %dma_start3A = arith.constant 0 : i32
    %dma_start3A_3 = tpu.memref_slice %arg5[%dma_start3A] : memref<1000000xf32, #tpu.memory_space<hbm>> -> memref<1000000xf32, #tpu.memory_space<hbm>>
    tpu.enqueue_indirect_dma source(%dma_start3A_3 : memref<1000000xf32, #tpu.memory_space<hbm>>) target(%arg14 : memref<512xf32, #tpu.memory_space<vmem>>) offsets(%arg10 : memref<512xi32, #tpu.memory_space<vmem>>) semaphore(%arg18 : memref<!tpu.dma_semaphore, #tpu.memory_space<semaphore_mem>>)
    %dma_start3A_4 = arith.constant 0 : i32
    %dma_start3A_5 = tpu.memref_slice %arg7[%dma_start3A_4] : memref<1000000xf32, #tpu.memory_space<hbm>> -> memref<1000000xf32, #tpu.memory_space<hbm>>
    tpu.enqueue_indirect_dma source(%dma_start3A_5 : memref<1000000xf32, #tpu.memory_space<hbm>>) target(%arg15 : memref<512xf32, #tpu.memory_space<vmem>>) offsets(%arg11 : memref<512xi32, #tpu.memory_space<vmem>>) semaphore(%arg18 : memref<!tpu.dma_semaphore, #tpu.memory_space<semaphore_mem>>)
    %dma_wait3A = arith.constant 0 : i32
    %dma_wait3A_6 = tpu.memref_slice %arg5[%dma_wait3A] : memref<1000000xf32, #tpu.memory_space<hbm>> -> memref<1000000xf32, #tpu.memory_space<hbm>>
    tpu.wait_indirect_dma semaphore(%arg18 : memref<!tpu.dma_semaphore, #tpu.memory_space<semaphore_mem>>) src(%dma_wait3A_6 : memref<1000000xf32, #tpu.memory_space<hbm>>) dst(%arg14 : memref<512xf32, #tpu.memory_space<vmem>>)
    %dma_wait3A_7 = arith.constant 0 : i32
    %dma_wait3A_8 = tpu.memref_slice %arg7[%dma_wait3A_7] : memref<1000000xf32, #tpu.memory_space<hbm>> -> memref<1000000xf32, #tpu.memory_space<hbm>>
    tpu.wait_indirect_dma semaphore(%arg18 : memref<!tpu.dma_semaphore, #tpu.memory_space<semaphore_mem>>) src(%dma_wait3A_8 : memref<1000000xf32, #tpu.memory_space<hbm>>) dst(%arg15 : memref<512xf32, #tpu.memory_space<vmem>>)
    %get3A = arith.constant 0 : index
    %get3A_9 = tpu.vector_load %arg16[%get3A] {strides = array<i32>} : memref<128xf32, #tpu.memory_space<vmem>>, vector<16xf32>,
    %iota3A = tpu.iota {dimensions = array<i32: 0>} : vector<16xi32>
    %scan3A = arith.constant 0 : i32
    %scan3A_10 = arith.constant 0 : i32
    %scan3A_11 = arith.constant 32 : i32
    %scan3A_12 = arith.addi %scan3A_10, %scan3A_11 : i32
    %scan3A_13 = arith.constant 1 : i32
    scf.for %scan3A_15 = %scan3A_10 to %scan3A_12 step %scan3A_13  : i32 {
      %mul3A_16 = arith.constant 16 : i32
      %mul3A_17 = arith.muli %scan3A_15, %mul3A_16 : i32
      %get3A_18 = arith.index_cast %mul3A_17 : i32 to index
      %get3A_19 = tpu.vector_load %arg10[%get3A_18] {strides = array<i32>} : memref<512xi32, #tpu.memory_space<vmem>>, vector<16xi32>,
      %get3A_20 = arith.index_cast %mul3A_17 : i32 to index
      %get3A_21 = tpu.vector_load %arg11[%get3A_20] {strides = array<i32>} : memref<512xi32, #tpu.memory_space<vmem>>, vector<16xi32>,
      %shift_right_logical3A = arith.constant 7 : i32
      %shift_right_logical3A_22 = vector.broadcast %shift_right_logical3A : i32 to vector<16xi32>
      %shift_right_logical3A_23 = arith.shrui %get3A_19, %shift_right_logical3A_22 : vector<16xi32>
      %shift_right_logical3A_24 = arith.constant 7 : i32
      %shift_right_logical3A_25 = vector.broadcast %shift_right_logical3A_24 : i32 to vector<16xi32>
      %shift_right_logical3A_26 = arith.shrui %get3A_21, %shift_right_logical3A_25 : vector<16xi32>
      %and3A = arith.constant 127 : i32
      %and3A_27 = vector.broadcast %and3A : i32 to vector<16xi32>
      %and3A_28 = arith.andi %get3A_19, %and3A_27 : vector<16xi32>
      %and3A_29 = arith.constant 127 : i32
      %and3A_30 = vector.broadcast %and3A_29 : i32 to vector<16xi32>
      %and3A_31 = arith.andi %get3A_21, %and3A_30 : vector<16xi32>
      %slice3A = vector.extract_strided_slice %shift_right_logical3A_23 {offsets = [0], sizes = [1], strides = [1]} : vector<16xi32> to vector<1xi32>
      %squeeze3A = vector.extract %slice3A[0] : i32 from vector<1xi32>
      %mul3A_32 = arith.constant 128 : i32
      %mul3A_33 = arith.muli %squeeze3A, %mul3A_32 : i32
      %slice3A_34 = vector.extract_strided_slice %shift_right_logical3A_26 {offsets = [0], sizes = [1], strides = [1]} : vector<16xi32> to vector<1xi32>
      %squeeze3A_35 = vector.extract %slice3A_34[0] : i32 from vector<1xi32>
      %mul3A_36 = arith.constant 128 : i32
      %mul3A_37 = arith.muli %squeeze3A_35, %mul3A_36 : i32
      %dma_start3A_38 = arith.constant 0 : i32
      %dma_start3A_39 = arith.constant 0 : i32
      %dma_start3A_40 = arith.constant 0 : i32
      %dma_start3A_41 = tpu.memref_slice %arg12[%dma_start3A_38, %dma_start3A_39, %dma_start3A_40] : memref<16x16x128xf32, #tpu.memory_space<vmem>> -> memref<1x16x128xf32, #tpu.memory_space<vmem>>
      %dma_start3A_42 = tpu.memref_squeeze %dma_start3A_41 : memref<1x16x128xf32, #tpu.memory_space<vmem>> -> memref<16x128xf32, #tpu.memory_space<vmem>>
      %dma_start3A_43 = arith.constant 0 : i32
      %dma_start3A_44 = tpu.memref_slice %arg4[%dma_start3A_43, %mul3A_33] : memref<16x1000000xf32, #tpu.memory_space<hbm>> -> memref<16x128xf32, #tpu.memory_space<hbm>>
      %dma_start3A_45 = arith.constant 0 : i32
      %dma_start3A_46 = arith.constant 0 : i32
      %dma_start3A_47 = tpu.memref_slice %arg12[%dma_start3A_38, %dma_start3A_45, %dma_start3A_46] : memref<16x16x128xf32, #tpu.memory_space<vmem>> -> memref<1x16x128xf32, #tpu.memory_space<vmem>>
      %dma_start3A_48 = tpu.memref_squeeze %dma_start3A_47 : memref<1x16x128xf32, #tpu.memory_space<vmem>> -> memref<16x128xf32, #tpu.memory_space<vmem>>
      %dma_start3A_49 = arith.constant 0 : i32
      %dma_start3A_50 = tpu.memref_slice %arg4[%dma_start3A_49, %mul3A_33] : memref<16x1000000xf32, #tpu.memory_space<hbm>> -> memref<16x128xf32, #tpu.memory_space<hbm>>
      tpu.enqueue_dma source(%dma_start3A_50 : memref<16x128xf32, #tpu.memory_space<hbm>>) target(%dma_start3A_48 : memref<16x128xf32, #tpu.memory_space<vmem>>) target_semaphore(%arg18 : memref<!tpu.dma_semaphore, #tpu.memory_space<semaphore_mem>>)
      %dma_start3A_51 = arith.constant 0 : i32
      %dma_start3A_52 = arith.constant 0 : i32
      %dma_start3A_53 = arith.constant 0 : i32
      %dma_start3A_54 = tpu.memref_slice %arg13[%dma_start3A_51, %dma_start3A_52, %dma_start3A_53] : memref<16x16x128xf32, #tpu.memory_space<vmem>> -> memref<1x16x128xf32, #tpu.memory_space<vmem>>
      %dma_start3A_55 = tpu.memref_squeeze %dma_start3A_54 : memref<1x16x128xf32, #tpu.memory_space<vmem>> -> memref<16x128xf32, #tpu.memory_space<vmem>>
      %dma_start3A_56 = arith.constant 0 : i32
      %dma_start3A_57 = tpu.memref_slice %arg6[%dma_start3A_56, %mul3A_37] : memref<16x1000000xf32, #tpu.memory_space<hbm>> -> memref<16x128xf32, #tpu.memory_space<hbm>>
      %dma_start3A_58 = arith.constant 0 : i32
      %dma_start3A_59 = arith.constant 0 : i32
      %dma_start3A_60 = tpu.memref_slice %arg13[%dma_start3A_51, %dma_start3A_58, %dma_start3A_59] : memref<16x16x128xf32, #tpu.memory_space<vmem>> -> memref<1x16x128xf32, #tpu.memory_space<vmem>>
      %dma_start3A_61 = tpu.memref_squeeze %dma_start3A_60 : memref<1x16x128xf32, #tpu.memory_space<vmem>> -> memref<16x128xf32, #tpu.memory_space<vmem>>
      %dma_start3A_62 = arith.constant 0 : i32
      %dma_start3A_63 = tpu.memref_slice %arg6[%dma_start3A_62, %mul3A_37] : memref<16x1000000xf32, #tpu.memory_space<hbm>> -> memref<16x128xf32, #tpu.memory_space<hbm>>
      tpu.enqueue_dma source(%dma_start3A_63 : memref<16x128xf32, #tpu.memory_space<hbm>>) target(%dma_start3A_61 : memref<16x128xf32, #tpu.memory_space<vmem>>) target_semaphore(%arg18 : memref<!tpu.dma_semaphore, #tpu.memory_space<semaphore_mem>>)
      %slice3A_64 = vector.extract_strided_slice %shift_right_logical3A_23 {offsets = [1], sizes = [1], strides = [1]} : vector<16xi32> to vector<1xi32>
      %squeeze3A_65 = vector.extract %slice3A_64[0] : i32 from vector<1xi32>
      %mul3A_66 = arith.constant 128 : i32
      %mul3A_67 = arith.muli %squeeze3A_65, %mul3A_66 : i32
      %slice3A_68 = vector.extract_strided_slice %shift_right_logical3A_26 {offsets = [1], sizes = [1], strides = [1]} : vector<16xi32> to vector<1xi32>
      %squeeze3A_69 = vector.extract %slice3A_68[0] : i32 from vector<1xi32>
      %mul3A_70 = arith.constant 128 : i32
      %mul3A_71 = arith.muli %squeeze3A_69, %mul3A_70 : i32
      %dma_start3A_72 = arith.constant 1 : i32
      %dma_start3A_73 = arith.constant 0 : i32
      %dma_start3A_74 = arith.constant 0 : i32
      %dma_start3A_75 = tpu.memref_slice %arg12[%dma_start3A_72, %dma_start3A_73, %dma_start3A_74] : memref<16x16x128xf32, #tpu.memory_space<vmem>> -> memref<1x16x128xf32, #tpu.memory_space<vmem>>
      %dma_start3A_76 = tpu.memref_squeeze %dma_start3A_75 : memref<1x16x128xf32, #tpu.memory_space<vmem>> -> memref<16x128xf32, #tpu.memory_space<vmem>>
      %dma_start3A_77 = arith.constant 0 : i32
      %dma_start3A_78 = tpu.memref_slice %arg4[%dma_start3A_77, %mul3A_67] : memref<16x1000000xf32, #tpu.memory_space<hbm>> -> memref<16x128xf32, #tpu.memory_space<hbm>>
      %dma_start3A_79 = arith.constant 0 : i32
      %dma_start3A_80 = arith.constant 0 : i32
      %dma_start3A_81 = tpu.memref_slice %arg12[%dma_start3A_72, %dma_start3A_79, %dma_start3A_80] : memref<16x16x128xf32, #tpu.memory_space<vmem>> -> memref<1x16x128xf32, #tpu.memory_space<vmem>>
      %dma_start3A_82 = tpu.memref_squeeze %dma_start3A_81 : memref<1x16x128xf32, #tpu.memory_space<vmem>> -> memref<16x128xf32, #tpu.memory_space<vmem>>
      %dma_start3A_83 = arith.constant 0 : i32
      %dma_start3A_84 = tpu.memref_slice %arg4[%dma_start3A_83, %mul3A_67] : memref<16x1000000xf32, #tpu.memory_space<hbm>> -> memref<16x128xf32, #tpu.memory_space<hbm>>
      tpu.enqueue_dma source(%dma_start3A_84 : memref<16x128xf32, #tpu.memory_space<hbm>>) target(%dma_start3A_82 : memref<16x128xf32, #tpu.memory_space<vmem>>) target_semaphore(%arg18 : memref<!tpu.dma_semaphore, #tpu.memory_space<semaphore_mem>>)
      %dma_start3A_85 = arith.constant 1 : i32
      %dma_start3A_86 = arith.constant 0 : i32
      %dma_start3A_87 = arith.constant 0 : i32
      %dma_start3A_88 = tpu.memref_slice %arg13[%dma_start3A_85, %dma_start3A_86, %dma_start3A_87] : memref<16x16x128xf32, #tpu.memory_space<vmem>> -> memref<1x16x128xf32, #tpu.memory_space<vmem>>
      %dma_start3A_89 = tpu.memref_squeeze %dma_start3A_88 : memref<1x16x128xf32, #tpu.memory_space<vmem>> -> memref<16x128xf32, #tpu.memory_space<vmem>>
      %dma_start3A_90 = arith.constant 0 : i32
      %dma_start3A_91 = tpu.memref_slice %arg6[%dma_start3A_90, %mul3A_71] : memref<16x1000000xf32, #tpu.memory_space<hbm>> -> memref<16x128xf32, #tpu.memory_space<hbm>>
      %dma_start3A_92 = arith.constant 0 : i32
      %dma_start3A_93 = arith.constant 0 : i32
      %dma_start3A_94 = tpu.memref_slice %arg13[%dma_start3A_85, %dma_start3A_92, %dma_start3A_93] : memref<16x16x128xf32, #tpu.memory_space<vmem>> -> memref<1x16x128xf32, #tpu.memory_space<vmem>>
      %dma_start3A_95 = tpu.memref_squeeze %dma_start3A_94 : memref<1x16x128xf32, #tpu.memory_space<vmem>> -> memref<16x128xf32, #tpu.memory_space<vmem>>
      %dma_start3A_96 = arith.constant 0 : i32
      %dma_start3A_97 = tpu.memref_slice %arg6[%dma_start3A_96, %mul3A_71] : memref<16x1000000xf32, #tpu.memory_space<hbm>> -> memref<16x128xf32, #tpu.memory_space<hbm>>
      tpu.enqueue_dma source(%dma_start3A_97 : memref<16x128xf32, #tpu.memory_space<hbm>>) target(%dma_start3A_95 : memref<16x128xf32, #tpu.memory_space<vmem>>) target_semaphore(%arg18 : memref<!tpu.dma_semaphore, #tpu.memory_space<semaphore_mem>>)
      %slice3A_98 = vector.extract_strided_slice %shift_right_logical3A_23 {offsets = [2], sizes = [1], strides = [1]} : vector<16xi32> to vector<1xi32>
      %squeeze3A_99 = vector.extract %slice3A_98[0] : i32 from vector<1xi32>
      %mul3A_100 = arith.constant 128 : i32
      %mul3A_101 = arith.muli %squeeze3A_99, %mul3A_100 : i32
      %slice3A_102 = vector.extract_strided_slice %shift_right_logical3A_26 {offsets = [2], sizes = [1], strides = [1]} : vector<16xi32> to vector<1xi32>
      %squeeze3A_103 = vector.extract %slice3A_102[0] : i32 from vector<1xi32>
      %mul3A_104 = arith.constant 128 : i32
      %mul3A_105 = arith.muli %squeeze3A_103, %mul3A_104 : i32
      %dma_start3A_106 = arith.constant 2 : i32
      %dma_start3A_107 = arith.constant 0 : i32
      %dma_start3A_108 = arith.constant 0 : i32
      %dma_start3A_109 = tpu.memref_slice %arg12[%dma_start3A_106, %dma_start3A_107, %dma_start3A_108] : memref<16x16x128xf32, #tpu.memory_space<vmem>> -> memref<1x16x128xf32, #tpu.memory_space<vmem>>
      %dma_start3A_110 = tpu.memref_squeeze %dma_start3A_109 : memref<1x16x128xf32, #tpu.memory_space<vmem>> -> memref<16x128xf32, #tpu.memory_space<vmem>>
      %dma_start3A_111 = arith.constant 0 : i32
      %dma_start3A_112 = tpu.memref_slice %arg4[%dma_start3A_111, %mul3A_101] : memref<16x1000000xf32, #tpu.memory_space<hbm>> -> memref<16x128xf32, #tpu.memory_space<hbm>>
      %dma_start3A_113 = arith.constant 0 : i32
      %dma_start3A_114 = arith.constant 0 : i32
      %dma_start3A_115 = tpu.memref_slice %arg12[%dma_start3A_106, %dma_start3A_113, %dma_start3A_114] : memref<16x16x128xf32, #tpu.memory_space<vmem>> -> memref<1x16x128xf32, #tpu.memory_space<vmem>>
      %dma_start3A_116 = tpu.memref_squeeze %dma_start3A_115 : memref<1x16x128xf32, #tpu.memory_space<vmem>> -> memref<16x128xf32, #tpu.memory_space<vmem>>
      %dma_start3A_117 = arith.constant 0 : i32
      %dma_start3A_118 = tpu.memref_slice %arg4[%dma_start3A_117, %mul3A_101] : memref<16x1000000xf32, #tpu.memory_space<hbm>> -> memref<16x128xf32, #tpu.memory_space<hbm>>
      tpu.enqueue_dma source(%dma_start3A_118 : memref<16x128xf32, #tpu.memory_space<hbm>>) target(%dma_start3A_116 : memref<16x128xf32, #tpu.memory_space<vmem>>) target_semaphore(%arg18 : memref<!tpu.dma_semaphore, #tpu.memory_space<semaphore_mem>>)
      %dma_start3A_119 = arith.constant 2 : i32
      %dma_start3A_120 = arith.constant 0 : i32
      %dma_start3A_121 = arith.constant 0 : i32
      %dma_start3A_122 = tpu.memref_slice %arg13[%dma_start3A_119, %dma_start3A_120, %dma_start3A_121] : memref<16x16x128xf32, #tpu.memory_space<vmem>> -> memref<1x16x128xf32, #tpu.memory_space<vmem>>
      %dma_start3A_123 = tpu.memref_squeeze %dma_start3A_122 : memref<1x16x128xf32, #tpu.memory_space<vmem>> -> memref<16x128xf32, #tpu.memory_space<vmem>>
      %dma_start3A_124 = arith.constant 0 : i32
      %dma_start3A_125 = tpu.memref_slice %arg6[%dma_start3A_124, %mul3A_105] : memref<16x1000000xf32, #tpu.memory_space<hbm>> -> memref<16x128xf32, #tpu.memory_space<hbm>>
      %dma_start3A_126 = arith.constant 0 : i32
      %dma_start3A_127 = arith.constant 0 : i32
      %dma_start3A_128 = tpu.memref_slice %arg13[%dma_start3A_119, %dma_start3A_126, %dma_start3A_127] : memref<16x16x128xf32, #tpu.memory_space<vmem>> -> memref<1x16x128xf32, #tpu.memory_space<vmem>>
      %dma_start3A_129 = tpu.memref_squeeze %dma_start3A_128 : memref<1x16x128xf32, #tpu.memory_space<vmem>> -> memref<16x128xf32, #tpu.memory_space<vmem>>
      %dma_start3A_130 = arith.constant 0 : i32
      %dma_start3A_131 = tpu.memref_slice %arg6[%dma_start3A_130, %mul3A_105] : memref<16x1000000xf32, #tpu.memory_space<hbm>> -> memref<16x128xf32, #tpu.memory_space<hbm>>
      tpu.enqueue_dma source(%dma_start3A_131 : memref<16x128xf32, #tpu.memory_space<hbm>>) target(%dma_start3A_129 : memref<16x128xf32, #tpu.memory_space<vmem>>) target_semaphore(%arg18 : memref<!tpu.dma_semaphore, #tpu.memory_space<semaphore_mem>>)
      %slice3A_132 = vector.extract_strided_slice %shift_right_logical3A_23 {offsets = [3], sizes = [1], strides = [1]} : vector<16xi32> to vector<1xi32>
      %squeeze3A_133 = vector.extract %slice3A_132[0] : i32 from vector<1xi32>
      %mul3A_134 = arith.constant 128 : i32
      %mul3A_135 = arith.muli %squeeze3A_133, %mul3A_134 : i32
      %slice3A_136 = vector.extract_strided_slice %shift_right_logical3A_26 {offsets = [3], sizes = [1], strides = [1]} : vector<16xi32> to vector<1xi32>
      %squeeze3A_137 = vector.extract %slice3A_136[0] : i32 from vector<1xi32>
      %mul3A_138 = arith.constant 128 : i32
      %mul3A_139 = arith.muli %squeeze3A_137, %mul3A_138 : i32
      %dma_start3A_140 = arith.constant 3 : i32
      %dma_start3A_141 = arith.constant 0 : i32
      %dma_start3A_142 = arith.constant 0 : i32
      %dma_start3A_143 = tpu.memref_slice %arg12[%dma_start3A_140, %dma_start3A_141, %dma_start3A_142] : memref<16x16x128xf32, #tpu.memory_space<vmem>> -> memref<1x16x128xf32, #tpu.memory_space<vmem>>
      %dma_start3A_144 = tpu.memref_squeeze %dma_start3A_143 : memref<1x16x128xf32, #tpu.memory_space<vmem>> -> memref<16x128xf32, #tpu.memory_space<vmem>>
      %dma_start3A_145 = arith.constant 0 : i32
      %dma_start3A_146 = tpu.memref_slice %arg4[%dma_start3A_145, %mul3A_135] : memref<16x1000000xf32, #tpu.memory_space<hbm>> -> memref<16x128xf32, #tpu.memory_space<hbm>>
      %dma_start3A_147 = arith.constant 0 : i32
      %dma_start3A_148 = arith.constant 0 : i32
      %dma_start3A_149 = tpu.memref_slice %arg12[%dma_start3A_140, %dma_start3A_147, %dma_start3A_148] : memref<16x16x128xf32, #tpu.memory_space<vmem>> -> memref<1x16x128xf32, #tpu.memory_space<vmem>>
      %dma_start3A_150 = tpu.memref_squeeze %dma_start3A_149 : memref<1x16x128xf32, #tpu.memory_space<vmem>> -> memref<16x128xf32, #tpu.memory_space<vmem>>
      %dma_start3A_151 = arith.constant 0 : i32
      %dma_start3A_152 = tpu.memref_slice %arg4[%dma_start3A_151, %mul3A_135] : memref<16x1000000xf32, #tpu.memory_space<hbm>> -> memref<16x128xf32, #tpu.memory_space<hbm>>
      tpu.enqueue_dma source(%dma_start3A_152 : memref<16x128xf32, #tpu.memory_space<hbm>>) target(%dma_start3A_150 : memref<16x128xf32, #tpu.memory_space<vmem>>) target_semaphore(%arg18 : memref<!tpu.dma_semaphore, #tpu.memory_space<semaphore_mem>>)
      %dma_start3A_153 = arith.constant 3 : i32
      %dma_start3A_154 = arith.constant 0 : i32
      %dma_start3A_155 = arith.constant 0 : i32
      %dma_start3A_156 = tpu.memref_slice %arg13[%dma_start3A_153, %dma_start3A_154, %dma_start3A_155] : memref<16x16x128xf32, #tpu.memory_space<vmem>> -> memref<1x16x128xf32, #tpu.memory_space<vmem>>
      %dma_start3A_157 = tpu.memref_squeeze %dma_start3A_156 : memref<1x16x128xf32, #tpu.memory_space<vmem>> -> memref<16x128xf32, #tpu.memory_space<vmem>>
      %dma_start3A_158 = arith.constant 0 : i32
      %dma_start3A_159 = tpu.memref_slice %arg6[%dma_start3A_158, %mul3A_139] : memref<16x1000000xf32, #tpu.memory_space<hbm>> -> memref<16x128xf32, #tpu.memory_space<hbm>>
      %dma_start3A_160 = arith.constant 0 : i32
      %dma_start3A_161 = arith.constant 0 : i32
      %dma_start3A_162 = tpu.memref_slice %arg13[%dma_start3A_153, %dma_start3A_160, %dma_start3A_161] : memref<16x16x128xf32, #tpu.memory_space<vmem>> -> memref<1x16x128xf32, #tpu.memory_space<vmem>>
      %dma_start3A_163 = tpu.memref_squeeze %dma_start3A_162 : memref<1x16x128xf32, #tpu.memory_space<vmem>> -> memref<16x128xf32, #tpu.memory_space<vmem>>
      %dma_start3A_164 = arith.constant 0 : i32
      %dma_start3A_165 = tpu.memref_slice %arg6[%dma_start3A_164, %mul3A_139] : memref<16x1000000xf32, #tpu.memory_space<hbm>> -> memref<16x128xf32, #tpu.memory_space<hbm>>
      tpu.enqueue_dma source(%dma_start3A_165 : memref<16x128xf32, #tpu.memory_space<hbm>>) target(%dma_start3A_163 : memref<16x128xf32, #tpu.memory_space<vmem>>) target_semaphore(%arg18 : memref<!tpu.dma_semaphore, #tpu.memory_space<semaphore_mem>>)
      %slice3A_166 = vector.extract_strided_slice %shift_right_logical3A_23 {offsets = [4], sizes = [1], strides = [1]} : vector<16xi32> to vector<1xi32>
      %squeeze3A_167 = vector.extract %slice3A_166[0] : i32 from vector<1xi32>
      %mul3A_168 = arith.constant 128 : i32
      %mul3A_169 = arith.muli %squeeze3A_167, %mul3A_168 : i32
      %slice3A_170 = vector.extract_strided_slice %shift_right_logical3A_26 {offsets = [4], sizes = [1], strides = [1]} : vector<16xi32> to vector<1xi32>
      %squeeze3A_171 = vector.extract %slice3A_170[0] : i32 from vector<1xi32>
      %mul3A_172 = arith.constant 128 : i32
      %mul3A_173 = arith.muli %squeeze3A_171, %mul3A_172 : i32
      %dma_start3A_174 = arith.constant 4 : i32
      %dma_start3A_175 = arith.constant 0 : i32
      %dma_start3A_176 = arith.constant 0 : i32
      %dma_start3A_177 = tpu.memref_slice %arg12[%dma_start3A_174, %dma_start3A_175, %dma_start3A_176] : memref<16x16x128xf32, #tpu.memory_space<vmem>> -> memref<1x16x128xf32, #tpu.memory_space<vmem>>
      %dma_start3A_178 = tpu.memref_squeeze %dma_start3A_177 : memref<1x16x128xf32, #tpu.memory_space<vmem>> -> memref<16x128xf32, #tpu.memory_space<vmem>>
      %dma_start3A_179 = arith.constant 0 : i32
      %dma_start3A_180 = tpu.memref_slice %arg4[%dma_start3A_179, %mul3A_169] : memref<16x1000000xf32, #tpu.memory_space<hbm>> -> memref<16x128xf32, #tpu.memory_space<hbm>>
      %dma_start3A_181 = arith.constant 0 : i32
      %dma_start3A_182 = arith.constant 0 : i32
      %dma_start3A_183 = tpu.memref_slice %arg12[%dma_start3A_174, %dma_start3A_181, %dma_start3A_182] : memref<16x16x128xf32, #tpu.memory_space<vmem>> -> memref<1x16x128xf32, #tpu.memory_space<vmem>>
      %dma_start3A_184 = tpu.memref_squeeze %dma_start3A_183 : memref<1x16x128xf32, #tpu.memory_space<vmem>> -> memref<16x128xf32, #tpu.memory_space<vmem>>
      %dma_start3A_185 = arith.constant 0 : i32
      %dma_start3A_186 = tpu.memref_slice %arg4[%dma_start3A_185, %mul3A_169] : memref<16x1000000xf32, #tpu.memory_space<hbm>> -> memref<16x128xf32, #tpu.memory_space<hbm>>
      tpu.enqueue_dma source(%dma_start3A_186 : memref<16x128xf32, #tpu.memory_space<hbm>>) target(%dma_start3A_184 : memref<16x128xf32, #tpu.memory_space<vmem>>) target_semaphore(%arg18 : memref<!tpu.dma_semaphore, #tpu.memory_space<semaphore_mem>>)
      %dma_start3A_187 = arith.constant 4 : i32
      %dma_start3A_188 = arith.constant 0 : i32
      %dma_start3A_189 = arith.constant 0 : i32
      %dma_start3A_190 = tpu.memref_slice %arg13[%dma_start3A_187, %dma_start3A_188, %dma_start3A_189] : memref<16x16x128xf32, #tpu.memory_space<vmem>> -> memref<1x16x128xf32, #tpu.memory_space<vmem>>
      %dma_start3A_191 = tpu.memref_squeeze %dma_start3A_190 : memref<1x16x128xf32, #tpu.memory_space<vmem>> -> memref<16x128xf32, #tpu.memory_space<vmem>>
      %dma_start3A_192 = arith.constant 0 : i32
      %dma_start3A_193 = tpu.memref_slice %arg6[%dma_start3A_192, %mul3A_173] : memref<16x1000000xf32, #tpu.memory_space<hbm>> -> memref<16x128xf32, #tpu.memory_space<hbm>>
      %dma_start3A_194 = arith.constant 0 : i32
      %dma_start3A_195 = arith.constant 0 : i32
      %dma_start3A_196 = tpu.memref_slice %arg13[%dma_start3A_187, %dma_start3A_194, %dma_start3A_195] : memref<16x16x128xf32, #tpu.memory_space<vmem>> -> memref<1x16x128xf32, #tpu.memory_space<vmem>>
      %dma_start3A_197 = tpu.memref_squeeze %dma_start3A_196 : memref<1x16x128xf32, #tpu.memory_space<vmem>> -> memref<16x128xf32, #tpu.memory_space<vmem>>
      %dma_start3A_198 = arith.constant 0 : i32
      %dma_start3A_199 = tpu.memref_slice %arg6[%dma_start3A_198, %mul3A_173] : memref<16x1000000xf32, #tpu.memory_space<hbm>> -> memref<16x128xf32, #tpu.memory_space<hbm>>
      tpu.enqueue_dma source(%dma_start3A_199 : memref<16x128xf32, #tpu.memory_space<hbm>>) target(%dma_start3A_197 : memref<16x128xf32, #tpu.memory_space<vmem>>) target_semaphore(%arg18 : memref<!tpu.dma_semaphore, #tpu.memory_space<semaphore_mem>>)
      %slice3A_200 = vector.extract_strided_slice %shift_right_logical3A_23 {offsets = [5], sizes = [1], strides = [1]} : vector<16xi32> to vector<1xi32>
      %squeeze3A_201 = vector.extract %slice3A_200[0] : i32 from vector<1xi32>
      %mul3A_202 = arith.constant 128 : i32
      %mul3A_203 = arith.muli %squeeze3A_201, %mul3A_202 : i32
      %slice3A_204 = vector.extract_strided_slice %shift_right_logical3A_26 {offsets = [5], sizes = [1], strides = [1]} : vector<16xi32> to vector<1xi32>
      %squeeze3A_205 = vector.extract %slice3A_204[0] : i32 from vector<1xi32>
      %mul3A_206 = arith.constant 128 : i32
      %mul3A_207 = arith.muli %squeeze3A_205, %mul3A_206 : i32
      %dma_start3A_208 = arith.constant 5 : i32
      %dma_start3A_209 = arith.constant 0 : i32
      %dma_start3A_210 = arith.constant 0 : i32
      %dma_start3A_211 = tpu.memref_slice %arg12[%dma_start3A_208, %dma_start3A_209, %dma_start3A_210] : memref<16x16x128xf32, #tpu.memory_space<vmem>> -> memref<1x16x128xf32, #tpu.memory_space<vmem>>
      %dma_start3A_212 = tpu.memref_squeeze %dma_start3A_211 : memref<1x16x128xf32, #tpu.memory_space<vmem>> -> memref<16x128xf32, #tpu.memory_space<vmem>>
      %dma_start3A_213 = arith.constant 0 : i32
      %dma_start3A_214 = tpu.memref_slice %arg4[%dma_start3A_213, %mul3A_203] : memref<16x1000000xf32, #tpu.memory_space<hbm>> -> memref<16x128xf32, #tpu.memory_space<hbm>>
      %dma_start3A_215 = arith.constant 0 : i32
      %dma_start3A_216 = arith.constant 0 : i32
      %dma_start3A_217 = tpu.memref_slice %arg12[%dma_start3A_208, %dma_start3A_215, %dma_start3A_216] : memref<16x16x128xf32, #tpu.memory_space<vmem>> -> memref<1x16x128xf32, #tpu.memory_space<vmem>>
      %dma_start3A_218 = tpu.memref_squeeze %dma_start3A_217 : memref<1x16x128xf32, #tpu.memory_space<vmem>> -> memref<16x128xf32, #tpu.memory_space<vmem>>
      %dma_start3A_219 = arith.constant 0 : i32
      %dma_start3A_220 = tpu.memref_slice %arg4[%dma_start3A_219, %mul3A_203] : memref<16x1000000xf32, #tpu.memory_space<hbm>> -> memref<16x128xf32, #tpu.memory_space<hbm>>
      tpu.enqueue_dma source(%dma_start3A_220 : memref<16x128xf32, #tpu.memory_space<hbm>>) target(%dma_start3A_218 : memref<16x128xf32, #tpu.memory_space<vmem>>) target_semaphore(%arg18 : memref<!tpu.dma_semaphore, #tpu.memory_space<semaphore_mem>>)
      %dma_start3A_221 = arith.constant 5 : i32
      %dma_start3A_222 = arith.constant 0 : i32
      %dma_start3A_223 = arith.constant 0 : i32
      %dma_start3A_224 = tpu.memref_slice %arg13[%dma_start3A_221, %dma_start3A_222, %dma_start3A_223] : memref<16x16x128xf32, #tpu.memory_space<vmem>> -> memref<1x16x128xf32, #tpu.memory_space<vmem>>
      %dma_start3A_225 = tpu.memref_squeeze %dma_start3A_224 : memref<1x16x128xf32, #tpu.memory_space<vmem>> -> memref<16x128xf32, #tpu.memory_space<vmem>>
      %dma_start3A_226 = arith.constant 0 : i32
      %dma_start3A_227 = tpu.memref_slice %arg6[%dma_start3A_226, %mul3A_207] : memref<16x1000000xf32, #tpu.memory_space<hbm>> -> memref<16x128xf32, #tpu.memory_space<hbm>>
      %dma_start3A_228 = arith.constant 0 : i32
      %dma_start3A_229 = arith.constant 0 : i32
      %dma_start3A_230 = tpu.memref_slice %arg13[%dma_start3A_221, %dma_start3A_228, %dma_start3A_229] : memref<16x16x128xf32, #tpu.memory_space<vmem>> -> memref<1x16x128xf32, #tpu.memory_space<vmem>>
      %dma_start3A_231 = tpu.memref_squeeze %dma_start3A_230 : memref<1x16x128xf32, #tpu.memory_space<vmem>> -> memref<16x128xf32, #tpu.memory_space<vmem>>
      %dma_start3A_232 = arith.constant 0 : i32
      %dma_start3A_233 = tpu.memref_slice %arg6[%dma_start3A_232, %mul3A_207] : memref<16x1000000xf32, #tpu.memory_space<hbm>> -> memref<16x128xf32, #tpu.memory_space<hbm>>
      tpu.enqueue_dma source(%dma_start3A_233 : memref<16x128xf32, #tpu.memory_space<hbm>>) target(%dma_start3A_231 : memref<16x128xf32, #tpu.memory_space<vmem>>) target_semaphore(%arg18 : memref<!tpu.dma_semaphore, #tpu.memory_space<semaphore_mem>>)
      %slice3A_234 = vector.extract_strided_slice %shift_right_logical3A_23 {offsets = [6], sizes = [1], strides = [1]} : vector<16xi32> to vector<1xi32>
      %squeeze3A_235 = vector.extract %slice3A_234[0] : i32 from vector<1xi32>
      %mul3A_236 = arith.constant 128 : i32
      %mul3A_237 = arith.muli %squeeze3A_235, %mul3A_236 : i32
      %slice3A_238 = vector.extract_strided_slice %shift_right_logical3A_26 {offsets = [6], sizes = [1], strides = [1]} : vector<16xi32> to vector<1xi32>
      %squeeze3A_239 = vector.extract %slice3A_238[0] : i32 from vector<1xi32>
      %mul3A_240 = arith.constant 128 : i32
      %mul3A_241 = arith.muli %squeeze3A_239, %mul3A_240 : i32
      %dma_start3A_242 = arith.constant 6 : i32
      %dma_start3A_243 = arith.constant 0 : i32
      %dma_start3A_244 = arith.constant 0 : i32
      %dma_start3A_245 = tpu.memref_slice %arg12[%dma_start3A_242, %dma_start3A_243, %dma_start3A_244] : memref<16x16x128xf32, #tpu.memory_space<vmem>> -> memref<1x16x128xf32, #tpu.memory_space<vmem>>
      %dma_start3A_246 = tpu.memref_squeeze %dma_start3A_245 : memref<1x16x128xf32, #tpu.memory_space<vmem>> -> memref<16x128xf32, #tpu.memory_space<vmem>>
      %dma_start3A_247 = arith.constant 0 : i32
      %dma_start3A_248 = tpu.memref_slice %arg4[%dma_start3A_247, %mul3A_237] : memref<16x1000000xf32, #tpu.memory_space<hbm>> -> memref<16x128xf32, #tpu.memory_space<hbm>>
      %dma_start3A_249 = arith.constant 0 : i32
      %dma_start3A_250 = arith.constant 0 : i32
      %dma_start3A_251 = tpu.memref_slice %arg12[%dma_start3A_242, %dma_start3A_249, %dma_start3A_250] : memref<16x16x128xf32, #tpu.memory_space<vmem>> -> memref<1x16x128xf32, #tpu.memory_space<vmem>>
      %dma_start3A_252 = tpu.memref_squeeze %dma_start3A_251 : memref<1x16x128xf32, #tpu.memory_space<vmem>> -> memref<16x128xf32, #tpu.memory_space<vmem>>
      %dma_start3A_253 = arith.constant 0 : i32
      %dma_start3A_254 = tpu.memref_slice %arg4[%dma_start3A_253, %mul3A_237] : memref<16x1000000xf32, #tpu.memory_space<hbm>> -> memref<16x128xf32, #tpu.memory_space<hbm>>
      tpu.enqueue_dma source(%dma_start3A_254 : memref<16x128xf32, #tpu.memory_space<hbm>>) target(%dma_start3A_252 : memref<16x128xf32, #tpu.memory_space<vmem>>) target_semaphore(%arg18 : memref<!tpu.dma_semaphore, #tpu.memory_space<semaphore_mem>>)
      %dma_start3A_255 = arith.constant 6 : i32
      %dma_start3A_256 = arith.constant 0 : i32
      %dma_start3A_257 = arith.constant 0 : i32
      %dma_start3A_258 = tpu.memref_slice %arg13[%dma_start3A_255, %dma_start3A_256, %dma_start3A_257] : memref<16x16x128xf32, #tpu.memory_space<vmem>> -> memref<1x16x128xf32, #tpu.memory_space<vmem>>
      %dma_start3A_259 = tpu.memref_squeeze %dma_start3A_258 : memref<1x16x128xf32, #tpu.memory_space<vmem>> -> memref<16x128xf32, #tpu.memory_space<vmem>>
      %dma_start3A_260 = arith.constant 0 : i32
      %dma_start3A_261 = tpu.memref_slice %arg6[%dma_start3A_260, %mul3A_241] : memref<16x1000000xf32, #tpu.memory_space<hbm>> -> memref<16x128xf32, #tpu.memory_space<hbm>>
      %dma_start3A_262 = arith.constant 0 : i32
      %dma_start3A_263 = arith.constant 0 : i32
      %dma_start3A_264 = tpu.memref_slice %arg13[%dma_start3A_255, %dma_start3A_262, %dma_start3A_263] : memref<16x16x128xf32, #tpu.memory_space<vmem>> -> memref<1x16x128xf32, #tpu.memory_space<vmem>>
      %dma_start3A_265 = tpu.memref_squeeze %dma_start3A_264 : memref<1x16x128xf32, #tpu.memory_space<vmem>> -> memref<16x128xf32, #tpu.memory_space<vmem>>
      %dma_start3A_266 = arith.constant 0 : i32
      %dma_start3A_267 = tpu.memref_slice %arg6[%dma_start3A_266, %mul3A_241] : memref<16x1000000xf32, #tpu.memory_space<hbm>> -> memref<16x128xf32, #tpu.memory_space<hbm>>
      tpu.enqueue_dma source(%dma_start3A_267 : memref<16x128xf32, #tpu.memory_space<hbm>>) target(%dma_start3A_265 : memref<16x128xf32, #tpu.memory_space<vmem>>) target_semaphore(%arg18 : memref<!tpu.dma_semaphore, #tpu.memory_space<semaphore_mem>>)
      %slice3A_268 = vector.extract_strided_slice %shift_right_logical3A_23 {offsets = [7], sizes = [1], strides = [1]} : vector<16xi32> to vector<1xi32>
      %squeeze3A_269 = vector.extract %slice3A_268[0] : i32 from vector<1xi32>
      %mul3A_270 = arith.constant 128 : i32
      %mul3A_271 = arith.muli %squeeze3A_269, %mul3A_270 : i32
      %slice3A_272 = vector.extract_strided_slice %shift_right_logical3A_26 {offsets = [7], sizes = [1], strides = [1]} : vector<16xi32> to vector<1xi32>
      %squeeze3A_273 = vector.extract %slice3A_272[0] : i32 from vector<1xi32>
      %mul3A_274 = arith.constant 128 : i32
      %mul3A_275 = arith.muli %squeeze3A_273, %mul3A_274 : i32
      %dma_start3A_276 = arith.constant 7 : i32
      %dma_start3A_277 = arith.constant 0 : i32
      %dma_start3A_278 = arith.constant 0 : i32
      %dma_start3A_279 = tpu.memref_slice %arg12[%dma_start3A_276, %dma_start3A_277, %dma_start3A_278] : memref<16x16x128xf32, #tpu.memory_space<vmem>> -> memref<1x16x128xf32, #tpu.memory_space<vmem>>
      %dma_start3A_280 = tpu.memref_squeeze %dma_start3A_279 : memref<1x16x128xf32, #tpu.memory_space<vmem>> -> memref<16x128xf32, #tpu.memory_space<vmem>>
      %dma_start3A_281 = arith.constant 0 : i32
      %dma_start3A_282 = tpu.memref_slice %arg4[%dma_start3A_281, %mul3A_271] : memref<16x1000000xf32, #tpu.memory_space<hbm>> -> memref<16x128xf32, #tpu.memory_space<hbm>>
      %dma_start3A_283 = arith.constant 0 : i32
      %dma_start3A_284 = arith.constant 0 : i32
      %dma_start3A_285 = tpu.memref_slice %arg12[%dma_start3A_276, %dma_start3A_283, %dma_start3A_284] : memref<16x16x128xf32, #tpu.memory_space<vmem>> -> memref<1x16x128xf32, #tpu.memory_space<vmem>>
      %dma_start3A_286 = tpu.memref_squeeze %dma_start3A_285 : memref<1x16x128xf32, #tpu.memory_space<vmem>> -> memref<16x128xf32, #tpu.memory_space<vmem>>
      %dma_start3A_287 = arith.constant 0 : i32
      %dma_start3A_288 = tpu.memref_slice %arg4[%dma_start3A_287, %mul3A_271] : memref<16x1000000xf32, #tpu.memory_space<hbm>> -> memref<16x128xf32, #tpu.memory_space<hbm>>
      tpu.enqueue_dma source(%dma_start3A_288 : memref<16x128xf32, #tpu.memory_space<hbm>>) target(%dma_start3A_286 : memref<16x128xf32, #tpu.memory_space<vmem>>) target_semaphore(%arg18 : memref<!tpu.dma_semaphore, #tpu.memory_space<semaphore_mem>>)
      %dma_start3A_289 = arith.constant 7 : i32
      %dma_start3A_290 = arith.constant 0 : i32
      %dma_start3A_291 = arith.constant 0 : i32
      %dma_start3A_292 = tpu.memref_slice %arg13[%dma_start3A_289, %dma_start3A_290, %dma_start3A_291] : memref<16x16x128xf32, #tpu.memory_space<vmem>> -> memref<1x16x128xf32, #tpu.memory_space<vmem>>
      %dma_start3A_293 = tpu.memref_squeeze %dma_start3A_292 : memref<1x16x128xf32, #tpu.memory_space<vmem>> -> memref<16x128xf32, #tpu.memory_space<vmem>>
      %dma_start3A_294 = arith.constant 0 : i32
      %dma_start3A_295 = tpu.memref_slice %arg6[%dma_start3A_294, %mul3A_275] : memref<16x1000000xf32, #tpu.memory_space<hbm>> -> memref<16x128xf32, #tpu.memory_space<hbm>>
      %dma_start3A_296 = arith.constant 0 : i32
      %dma_start3A_297 = arith.constant 0 : i32
      %dma_start3A_298 = tpu.memref_slice %arg13[%dma_start3A_289, %dma_start3A_296, %dma_start3A_297] : memref<16x16x128xf32, #tpu.memory_space<vmem>> -> memref<1x16x128xf32, #tpu.memory_space<vmem>>
      %dma_start3A_299 = tpu.memref_squeeze %dma_start3A_298 : memref<1x16x128xf32, #tpu.memory_space<vmem>> -> memref<16x128xf32, #tpu.memory_space<vmem>>
      %dma_start3A_300 = arith.constant 0 : i32
      %dma_start3A_301 = tpu.memref_slice %arg6[%dma_start3A_300, %mul3A_275] : memref<16x1000000xf32, #tpu.memory_space<hbm>> -> memref<16x128xf32, #tpu.memory_space<hbm>>
      tpu.enqueue_dma source(%dma_start3A_301 : memref<16x128xf32, #tpu.memory_space<hbm>>) target(%dma_start3A_299 : memref<16x128xf32, #tpu.memory_space<vmem>>) target_semaphore(%arg18 : memref<!tpu.dma_semaphore, #tpu.memory_space<semaphore_mem>>)
      %slice3A_302 = vector.extract_strided_slice %shift_right_logical3A_23 {offsets = [8], sizes = [1], strides = [1]} : vector<16xi32> to vector<1xi32>
      %squeeze3A_303 = vector.extract %slice3A_302[0] : i32 from vector<1xi32>
      %mul3A_304 = arith.constant 128 : i32
      %mul3A_305 = arith.muli %squeeze3A_303, %mul3A_304 : i32
      %slice3A_306 = vector.extract_strided_slice %shift_right_logical3A_26 {offsets = [8], sizes = [1], strides = [1]} : vector<16xi32> to vector<1xi32>
      %squeeze3A_307 = vector.extract %slice3A_306[0] : i32 from vector<1xi32>
      %mul3A_308 = arith.constant 128 : i32
      %mul3A_309 = arith.muli %squeeze3A_307, %mul3A_308 : i32
      %dma_start3A_310 = arith.constant 8 : i32
      %dma_start3A_311 = arith.constant 0 : i32
      %dma_start3A_312 = arith.constant 0 : i32
      %dma_start3A_313 = tpu.memref_slice %arg12[%dma_start3A_310, %dma_start3A_311, %dma_start3A_312] : memref<16x16x128xf32, #tpu.memory_space<vmem>> -> memref<1x16x128xf32, #tpu.memory_space<vmem>>
      %dma_start3A_314 = tpu.memref_squeeze %dma_start3A_313 : memref<1x16x128xf32, #tpu.memory_space<vmem>> -> memref<16x128xf32, #tpu.memory_space<vmem>>
      %dma_start3A_315 = arith.constant 0 : i32
      %dma_start3A_316 = tpu.memref_slice %arg4[%dma_start3A_315, %mul3A_305] : memref<16x1000000xf32, #tpu.memory_space<hbm>> -> memref<16x128xf32, #tpu.memory_space<hbm>>
      %dma_start3A_317 = arith.constant 0 : i32
      %dma_start3A_318 = arith.constant 0 : i32
      %dma_start3A_319 = tpu.memref_slice %arg12[%dma_start3A_310, %dma_start3A_317, %dma_start3A_318] : memref<16x16x128xf32, #tpu.memory_space<vmem>> -> memref<1x16x128xf32, #tpu.memory_space<vmem>>
      %dma_start3A_320 = tpu.memref_squeeze %dma_start3A_319 : memref<1x16x128xf32, #tpu.memory_space<vmem>> -> memref<16x128xf32, #tpu.memory_space<vmem>>
      %dma_start3A_321 = arith.constant 0 : i32
      %dma_start3A_322 = tpu.memref_slice %arg4[%dma_start3A_321, %mul3A_305] : memref<16x1000000xf32, #tpu.memory_space<hbm>> -> memref<16x128xf32, #tpu.memory_space<hbm>>
      tpu.enqueue_dma source(%dma_start3A_322 : memref<16x128xf32, #tpu.memory_space<hbm>>) target(%dma_start3A_320 : memref<16x128xf32, #tpu.memory_space<vmem>>) target_semaphore(%arg18 : memref<!tpu.dma_semaphore, #tpu.memory_space<semaphore_mem>>)
      %dma_start3A_323 = arith.constant 8 : i32
      %dma_start3A_324 = arith.constant 0 : i32
      %dma_start3A_325 = arith.constant 0 : i32
      %dma_start3A_326 = tpu.memref_slice %arg13[%dma_start3A_323, %dma_start3A_324, %dma_start3A_325] : memref<16x16x128xf32, #tpu.memory_space<vmem>> -> memref<1x16x128xf32, #tpu.memory_space<vmem>>
      %dma_start3A_327 = tpu.memref_squeeze %dma_start3A_326 : memref<1x16x128xf32, #tpu.memory_space<vmem>> -> memref<16x128xf32, #tpu.memory_space<vmem>>
      %dma_start3A_328 = arith.constant 0 : i32
      %dma_start3A_329 = tpu.memref_slice %arg6[%dma_start3A_328, %mul3A_309] : memref<16x1000000xf32, #tpu.memory_space<hbm>> -> memref<16x128xf32, #tpu.memory_space<hbm>>
      %dma_start3A_330 = arith.constant 0 : i32
      %dma_start3A_331 = arith.constant 0 : i32
      %dma_start3A_332 = tpu.memref_slice %arg13[%dma_start3A_323, %dma_start3A_330, %dma_start3A_331] : memref<16x16x128xf32, #tpu.memory_space<vmem>> -> memref<1x16x128xf32, #tpu.memory_space<vmem>>
      %dma_start3A_333 = tpu.memref_squeeze %dma_start3A_332 : memref<1x16x128xf32, #tpu.memory_space<vmem>> -> memref<16x128xf32, #tpu.memory_space<vmem>>
      %dma_start3A_334 = arith.constant 0 : i32
      %dma_start3A_335 = tpu.memref_slice %arg6[%dma_start3A_334, %mul3A_309] : memref<16x1000000xf32, #tpu.memory_space<hbm>> -> memref<16x128xf32, #tpu.memory_space<hbm>>
      tpu.enqueue_dma source(%dma_start3A_335 : memref<16x128xf32, #tpu.memory_space<hbm>>) target(%dma_start3A_333 : memref<16x128xf32, #tpu.memory_space<vmem>>) target_semaphore(%arg18 : memref<!tpu.dma_semaphore, #tpu.memory_space<semaphore_mem>>)
      %slice3A_336 = vector.extract_strided_slice %shift_right_logical3A_23 {offsets = [9], sizes = [1], strides = [1]} : vector<16xi32> to vector<1xi32>
      %squeeze3A_337 = vector.extract %slice3A_336[0] : i32 from vector<1xi32>
      %mul3A_338 = arith.constant 128 : i32
      %mul3A_339 = arith.muli %squeeze3A_337, %mul3A_338 : i32
      %slice3A_340 = vector.extract_strided_slice %shift_right_logical3A_26 {offsets = [9], sizes = [1], strides = [1]} : vector<16xi32> to vector<1xi32>
      %squeeze3A_341 = vector.extract %slice3A_340[0] : i32 from vector<1xi32>
      %mul3A_342 = arith.constant 128 : i32
      %mul3A_343 = arith.muli %squeeze3A_341, %mul3A_342 : i32
      %dma_start3A_344 = arith.constant 9 : i32
      %dma_start3A_345 = arith.constant 0 : i32
      %dma_start3A_346 = arith.constant 0 : i32
      %dma_start3A_347 = tpu.memref_slice %arg12[%dma_start3A_344, %dma_start3A_345, %dma_start3A_346] : memref<16x16x128xf32, #tpu.memory_space<vmem>> -> memref<1x16x128xf32, #tpu.memory_space<vmem>>
      %dma_start3A_348 = tpu.memref_squeeze %dma_start3A_347 : memref<1x16x128xf32, #tpu.memory_space<vmem>> -> memref<16x128xf32, #tpu.memory_space<vmem>>
      %dma_start3A_349 = arith.constant 0 : i32
      %dma_start3A_350 = tpu.memref_slice %arg4[%dma_start3A_349, %mul3A_339] : memref<16x1000000xf32, #tpu.memory_space<hbm>> -> memref<16x128xf32, #tpu.memory_space<hbm>>
      %dma_start3A_351 = arith.constant 0 : i32
      %dma_start3A_352 = arith.constant 0 : i32
      %dma_start3A_353 = tpu.memref_slice %arg12[%dma_start3A_344, %dma_start3A_351, %dma_start3A_352] : memref<16x16x128xf32, #tpu.memory_space<vmem>> -> memref<1x16x128xf32, #tpu.memory_space<vmem>>
      %dma_start3A_354 = tpu.memref_squeeze %dma_start3A_353 : memref<1x16x128xf32, #tpu.memory_space<vmem>> -> memref<16x128xf32, #tpu.memory_space<vmem>>
      %dma_start3A_355 = arith.constant 0 : i32
      %dma_start3A_356 = tpu.memref_slice %arg4[%dma_start3A_355, %mul3A_339] : memref<16x1000000xf32, #tpu.memory_space<hbm>> -> memref<16x128xf32, #tpu.memory_space<hbm>>
      tpu.enqueue_dma source(%dma_start3A_356 : memref<16x128xf32, #tpu.memory_space<hbm>>) target(%dma_start3A_354 : memref<16x128xf32, #tpu.memory_space<vmem>>) target_semaphore(%arg18 : memref<!tpu.dma_semaphore, #tpu.memory_space<semaphore_mem>>)
      %dma_start3A_357 = arith.constant 9 : i32
      %dma_start3A_358 = arith.constant 0 : i32
      %dma_start3A_359 = arith.constant 0 : i32
      %dma_start3A_360 = tpu.memref_slice %arg13[%dma_start3A_357, %dma_start3A_358, %dma_start3A_359] : memref<16x16x128xf32, #tpu.memory_space<vmem>> -> memref<1x16x128xf32, #tpu.memory_space<vmem>>
      %dma_start3A_361 = tpu.memref_squeeze %dma_start3A_360 : memref<1x16x128xf32, #tpu.memory_space<vmem>> -> memref<16x128xf32, #tpu.memory_space<vmem>>
      %dma_start3A_362 = arith.constant 0 : i32
      %dma_start3A_363 = tpu.memref_slice %arg6[%dma_start3A_362, %mul3A_343] : memref<16x1000000xf32, #tpu.memory_space<hbm>> -> memref<16x128xf32, #tpu.memory_space<hbm>>
      %dma_start3A_364 = arith.constant 0 : i32
      %dma_start3A_365 = arith.constant 0 : i32
      %dma_start3A_366 = tpu.memref_slice %arg13[%dma_start3A_357, %dma_start3A_364, %dma_start3A_365] : memref<16x16x128xf32, #tpu.memory_space<vmem>> -> memref<1x16x128xf32, #tpu.memory_space<vmem>>
      %dma_start3A_367 = tpu.memref_squeeze %dma_start3A_366 : memref<1x16x128xf32, #tpu.memory_space<vmem>> -> memref<16x128xf32, #tpu.memory_space<vmem>>
      %dma_start3A_368 = arith.constant 0 : i32
      %dma_start3A_369 = tpu.memref_slice %arg6[%dma_start3A_368, %mul3A_343] : memref<16x1000000xf32, #tpu.memory_space<hbm>> -> memref<16x128xf32, #tpu.memory_space<hbm>>
      tpu.enqueue_dma source(%dma_start3A_369 : memref<16x128xf32, #tpu.memory_space<hbm>>) target(%dma_start3A_367 : memref<16x128xf32, #tpu.memory_space<vmem>>) target_semaphore(%arg18 : memref<!tpu.dma_semaphore, #tpu.memory_space<semaphore_mem>>)
      %slice3A_370 = vector.extract_strided_slice %shift_right_logical3A_23 {offsets = [10], sizes = [1], strides = [1]} : vector<16xi32> to vector<1xi32>
      %squeeze3A_371 = vector.extract %slice3A_370[0] : i32 from vector<1xi32>
      %mul3A_372 = arith.constant 128 : i32
      %mul3A_373 = arith.muli %squeeze3A_371, %mul3A_372 : i32
      %slice3A_374 = vector.extract_strided_slice %shift_right_logical3A_26 {offsets = [10], sizes = [1], strides = [1]} : vector<16xi32> to vector<1xi32>
      %squeeze3A_375 = vector.extract %slice3A_374[0] : i32 from vector<1xi32>
      %mul3A_376 = arith.constant 128 : i32
      %mul3A_377 = arith.muli %squeeze3A_375, %mul3A_376 : i32
      %dma_start3A_378 = arith.constant 10 : i32
      %dma_start3A_379 = arith.constant 0 : i32
      %dma_start3A_380 = arith.constant 0 : i32
      %dma_start3A_381 = tpu.memref_slice %arg12[%dma_start3A_378, %dma_start3A_379, %dma_start3A_380] : memref<16x16x128xf32, #tpu.memory_space<vmem>> -> memref<1x16x128xf32, #tpu.memory_space<vmem>>
      %dma_start3A_382 = tpu.memref_squeeze %dma_start3A_381 : memref<1x16x128xf32, #tpu.memory_space<vmem>> -> memref<16x128xf32, #tpu.memory_space<vmem>>
      %dma_start3A_383 = arith.constant 0 : i32
      %dma_start3A_384 = tpu.memref_slice %arg4[%dma_start3A_383, %mul3A_373] : memref<16x1000000xf32, #tpu.memory_space<hbm>> -> memref<16x128xf32, #tpu.memory_space<hbm>>
      %dma_start3A_385 = arith.constant 0 : i32
      %dma_start3A_386 = arith.constant 0 : i32
      %dma_start3A_387 = tpu.memref_slice %arg12[%dma_start3A_378, %dma_start3A_385, %dma_start3A_386] : memref<16x16x128xf32, #tpu.memory_space<vmem>> -> memref<1x16x128xf32, #tpu.memory_space<vmem>>
      %dma_start3A_388 = tpu.memref_squeeze %dma_start3A_387 : memref<1x16x128xf32, #tpu.memory_space<vmem>> -> memref<16x128xf32, #tpu.memory_space<vmem>>
      %dma_start3A_389 = arith.constant 0 : i32
      %dma_start3A_390 = tpu.memref_slice %arg4[%dma_start3A_389, %mul3A_373] : memref<16x1000000xf32, #tpu.memory_space<hbm>> -> memref<16x128xf32, #tpu.memory_space<hbm>>
      tpu.enqueue_dma source(%dma_start3A_390 : memref<16x128xf32, #tpu.memory_space<hbm>>) target(%dma_start3A_388 : memref<16x128xf32, #tpu.memory_space<vmem>>) target_semaphore(%arg18 : memref<!tpu.dma_semaphore, #tpu.memory_space<semaphore_mem>>)
      %dma_start3A_391 = arith.constant 10 : i32
      %dma_start3A_392 = arith.constant 0 : i32
      %dma_start3A_393 = arith.constant 0 : i32
      %dma_start3A_394 = tpu.memref_slice %arg13[%dma_start3A_391, %dma_start3A_392, %dma_start3A_393] : memref<16x16x128xf32, #tpu.memory_space<vmem>> -> memref<1x16x128xf32, #tpu.memory_space<vmem>>
      %dma_start3A_395 = tpu.memref_squeeze %dma_start3A_394 : memref<1x16x128xf32, #tpu.memory_space<vmem>> -> memref<16x128xf32, #tpu.memory_space<vmem>>
      %dma_start3A_396 = arith.constant 0 : i32
      %dma_start3A_397 = tpu.memref_slice %arg6[%dma_start3A_396, %mul3A_377] : memref<16x1000000xf32, #tpu.memory_space<hbm>> -> memref<16x128xf32, #tpu.memory_space<hbm>>
      %dma_start3A_398 = arith.constant 0 : i32
      %dma_start3A_399 = arith.constant 0 : i32
      %dma_start3A_400 = tpu.memref_slice %arg13[%dma_start3A_391, %dma_start3A_398, %dma_start3A_399] : memref<16x16x128xf32, #tpu.memory_space<vmem>> -> memref<1x16x128xf32, #tpu.memory_space<vmem>>
      %dma_start3A_401 = tpu.memref_squeeze %dma_start3A_400 : memref<1x16x128xf32, #tpu.memory_space<vmem>> -> memref<16x128xf32, #tpu.memory_space<vmem>>
      %dma_start3A_402 = arith.constant 0 : i32
      %dma_start3A_403 = tpu.memref_slice %arg6[%dma_start3A_402, %mul3A_377] : memref<16x1000000xf32, #tpu.memory_space<hbm>> -> memref<16x128xf32, #tpu.memory_space<hbm>>
      tpu.enqueue_dma source(%dma_start3A_403 : memref<16x128xf32, #tpu.memory_space<hbm>>) target(%dma_start3A_401 : memref<16x128xf32, #tpu.memory_space<vmem>>) target_semaphore(%arg18 : memref<!tpu.dma_semaphore, #tpu.memory_space<semaphore_mem>>)
      %slice3A_404 = vector.extract_strided_slice %shift_right_logical3A_23 {offsets = [11], sizes = [1], strides = [1]} : vector<16xi32> to vector<1xi32>
      %squeeze3A_405 = vector.extract %slice3A_404[0] : i32 from vector<1xi32>
      %mul3A_406 = arith.constant 128 : i32
      %mul3A_407 = arith.muli %squeeze3A_405, %mul3A_406 : i32
      %slice3A_408 = vector.extract_strided_slice %shift_right_logical3A_26 {offsets = [11], sizes = [1], strides = [1]} : vector<16xi32> to vector<1xi32>
      %squeeze3A_409 = vector.extract %slice3A_408[0] : i32 from vector<1xi32>
      %mul3A_410 = arith.constant 128 : i32
      %mul3A_411 = arith.muli %squeeze3A_409, %mul3A_410 : i32
      %dma_start3A_412 = arith.constant 11 : i32
      %dma_start3A_413 = arith.constant 0 : i32
      %dma_start3A_414 = arith.constant 0 : i32
      %dma_start3A_415 = tpu.memref_slice %arg12[%dma_start3A_412, %dma_start3A_413, %dma_start3A_414] : memref<16x16x128xf32, #tpu.memory_space<vmem>> -> memref<1x16x128xf32, #tpu.memory_space<vmem>>
      %dma_start3A_416 = tpu.memref_squeeze %dma_start3A_415 : memref<1x16x128xf32, #tpu.memory_space<vmem>> -> memref<16x128xf32, #tpu.memory_space<vmem>>
      %dma_start3A_417 = arith.constant 0 : i32
      %dma_start3A_418 = tpu.memref_slice %arg4[%dma_start3A_417, %mul3A_407] : memref<16x1000000xf32, #tpu.memory_space<hbm>> -> memref<16x128xf32, #tpu.memory_space<hbm>>
      %dma_start3A_419 = arith.constant 0 : i32
      %dma_start3A_420 = arith.constant 0 : i32
      %dma_start3A_421 = tpu.memref_slice %arg12[%dma_start3A_412, %dma_start3A_419, %dma_start3A_420] : memref<16x16x128xf32, #tpu.memory_space<vmem>> -> memref<1x16x128xf32, #tpu.memory_space<vmem>>
      %dma_start3A_422 = tpu.memref_squeeze %dma_start3A_421 : memref<1x16x128xf32, #tpu.memory_space<vmem>> -> memref<16x128xf32, #tpu.memory_space<vmem>>
      %dma_start3A_423 = arith.constant 0 : i32
      %dma_start3A_424 = tpu.memref_slice %arg4[%dma_start3A_423, %mul3A_407] : memref<16x1000000xf32, #tpu.memory_space<hbm>> -> memref<16x128xf32, #tpu.memory_space<hbm>>
      tpu.enqueue_dma source(%dma_start3A_424 : memref<16x128xf32, #tpu.memory_space<hbm>>) target(%dma_start3A_422 : memref<16x128xf32, #tpu.memory_space<vmem>>) target_semaphore(%arg18 : memref<!tpu.dma_semaphore, #tpu.memory_space<semaphore_mem>>)
      %dma_start3A_425 = arith.constant 11 : i32
      %dma_start3A_426 = arith.constant 0 : i32
      %dma_start3A_427 = arith.constant 0 : i32
      %dma_start3A_428 = tpu.memref_slice %arg13[%dma_start3A_425, %dma_start3A_426, %dma_start3A_427] : memref<16x16x128xf32, #tpu.memory_space<vmem>> -> memref<1x16x128xf32, #tpu.memory_space<vmem>>
      %dma_start3A_429 = tpu.memref_squeeze %dma_start3A_428 : memref<1x16x128xf32, #tpu.memory_space<vmem>> -> memref<16x128xf32, #tpu.memory_space<vmem>>
      %dma_start3A_430 = arith.constant 0 : i32
      %dma_start3A_431 = tpu.memref_slice %arg6[%dma_start3A_430, %mul3A_411] : memref<16x1000000xf32, #tpu.memory_space<hbm>> -> memref<16x128xf32, #tpu.memory_space<hbm>>
      %dma_start3A_432 = arith.constant 0 : i32
      %dma_start3A_433 = arith.constant 0 : i32
      %dma_start3A_434 = tpu.memref_slice %arg13[%dma_start3A_425, %dma_start3A_432, %dma_start3A_433] : memref<16x16x128xf32, #tpu.memory_space<vmem>> -> memref<1x16x128xf32, #tpu.memory_space<vmem>>
      %dma_start3A_435 = tpu.memref_squeeze %dma_start3A_434 : memref<1x16x128xf32, #tpu.memory_space<vmem>> -> memref<16x128xf32, #tpu.memory_space<vmem>>
      %dma_start3A_436 = arith.constant 0 : i32
      %dma_start3A_437 = tpu.memref_slice %arg6[%dma_start3A_436, %mul3A_411] : memref<16x1000000xf32, #tpu.memory_space<hbm>> -> memref<16x128xf32, #tpu.memory_space<hbm>>
      tpu.enqueue_dma source(%dma_start3A_437 : memref<16x128xf32, #tpu.memory_space<hbm>>) target(%dma_start3A_435 : memref<16x128xf32, #tpu.memory_space<vmem>>) target_semaphore(%arg18 : memref<!tpu.dma_semaphore, #tpu.memory_space<semaphore_mem>>)
      %slice3A_438 = vector.extract_strided_slice %shift_right_logical3A_23 {offsets = [12], sizes = [1], strides = [1]} : vector<16xi32> to vector<1xi32>
      %squeeze3A_439 = vector.extract %slice3A_438[0] : i32 from vector<1xi32>
      %mul3A_440 = arith.constant 128 : i32
      %mul3A_441 = arith.muli %squeeze3A_439, %mul3A_440 : i32
      %slice3A_442 = vector.extract_strided_slice %shift_right_logical3A_26 {offsets = [12], sizes = [1], strides = [1]} : vector<16xi32> to vector<1xi32>
      %squeeze3A_443 = vector.extract %slice3A_442[0] : i32 from vector<1xi32>
      %mul3A_444 = arith.constant 128 : i32
      %mul3A_445 = arith.muli %squeeze3A_443, %mul3A_444 : i32
      %dma_start3A_446 = arith.constant 12 : i32
      %dma_start3A_447 = arith.constant 0 : i32
      %dma_start3A_448 = arith.constant 0 : i32
      %dma_start3A_449 = tpu.memref_slice %arg12[%dma_start3A_446, %dma_start3A_447, %dma_start3A_448] : memref<16x16x128xf32, #tpu.memory_space<vmem>> -> memref<1x16x128xf32, #tpu.memory_space<vmem>>
      %dma_start3A_450 = tpu.memref_squeeze %dma_start3A_449 : memref<1x16x128xf32, #tpu.memory_space<vmem>> -> memref<16x128xf32, #tpu.memory_space<vmem>>
      %dma_start3A_451 = arith.constant 0 : i32
      %dma_start3A_452 = tpu.memref_slice %arg4[%dma_start3A_451, %mul3A_441] : memref<16x1000000xf32, #tpu.memory_space<hbm>> -> memref<16x128xf32, #tpu.memory_space<hbm>>
      %dma_start3A_453 = arith.constant 0 : i32
      %dma_start3A_454 = arith.constant 0 : i32
      %dma_start3A_455 = tpu.memref_slice %arg12[%dma_start3A_446, %dma_start3A_453, %dma_start3A_454] : memref<16x16x128xf32, #tpu.memory_space<vmem>> -> memref<1x16x128xf32, #tpu.memory_space<vmem>>
      %dma_start3A_456 = tpu.memref_squeeze %dma_start3A_455 : memref<1x16x128xf32, #tpu.memory_space<vmem>> -> memref<16x128xf32, #tpu.memory_space<vmem>>
      %dma_start3A_457 = arith.constant 0 : i32
      %dma_start3A_458 = tpu.memref_slice %arg4[%dma_start3A_457, %mul3A_441] : memref<16x1000000xf32, #tpu.memory_space<hbm>> -> memref<16x128xf32, #tpu.memory_space<hbm>>
      tpu.enqueue_dma source(%dma_start3A_458 : memref<16x128xf32, #tpu.memory_space<hbm>>) target(%dma_start3A_456 : memref<16x128xf32, #tpu.memory_space<vmem>>) target_semaphore(%arg18 : memref<!tpu.dma_semaphore, #tpu.memory_space<semaphore_mem>>)
      %dma_start3A_459 = arith.constant 12 : i32
      %dma_start3A_460 = arith.constant 0 : i32
      %dma_start3A_461 = arith.constant 0 : i32
      %dma_start3A_462 = tpu.memref_slice %arg13[%dma_start3A_459, %dma_start3A_460, %dma_start3A_461] : memref<16x16x128xf32, #tpu.memory_space<vmem>> -> memref<1x16x128xf32, #tpu.memory_space<vmem>>
      %dma_start3A_463 = tpu.memref_squeeze %dma_start3A_462 : memref<1x16x128xf32, #tpu.memory_space<vmem>> -> memref<16x128xf32, #tpu.memory_space<vmem>>
      %dma_start3A_464 = arith.constant 0 : i32
      %dma_start3A_465 = tpu.memref_slice %arg6[%dma_start3A_464, %mul3A_445] : memref<16x1000000xf32, #tpu.memory_space<hbm>> -> memref<16x128xf32, #tpu.memory_space<hbm>>
      %dma_start3A_466 = arith.constant 0 : i32
      %dma_start3A_467 = arith.constant 0 : i32
      %dma_start3A_468 = tpu.memref_slice %arg13[%dma_start3A_459, %dma_start3A_466, %dma_start3A_467] : memref<16x16x128xf32, #tpu.memory_space<vmem>> -> memref<1x16x128xf32, #tpu.memory_space<vmem>>
      %dma_start3A_469 = tpu.memref_squeeze %dma_start3A_468 : memref<1x16x128xf32, #tpu.memory_space<vmem>> -> memref<16x128xf32, #tpu.memory_space<vmem>>
      %dma_start3A_470 = arith.constant 0 : i32
      %dma_start3A_471 = tpu.memref_slice %arg6[%dma_start3A_470, %mul3A_445] : memref<16x1000000xf32, #tpu.memory_space<hbm>> -> memref<16x128xf32, #tpu.memory_space<hbm>>
      tpu.enqueue_dma source(%dma_start3A_471 : memref<16x128xf32, #tpu.memory_space<hbm>>) target(%dma_start3A_469 : memref<16x128xf32, #tpu.memory_space<vmem>>) target_semaphore(%arg18 : memref<!tpu.dma_semaphore, #tpu.memory_space<semaphore_mem>>)
      %slice3A_472 = vector.extract_strided_slice %shift_right_logical3A_23 {offsets = [13], sizes = [1], strides = [1]} : vector<16xi32> to vector<1xi32>
      %squeeze3A_473 = vector.extract %slice3A_472[0] : i32 from vector<1xi32>
      %mul3A_474 = arith.constant 128 : i32
      %mul3A_475 = arith.muli %squeeze3A_473, %mul3A_474 : i32
      %slice3A_476 = vector.extract_strided_slice %shift_right_logical3A_26 {offsets = [13], sizes = [1], strides = [1]} : vector<16xi32> to vector<1xi32>
      %squeeze3A_477 = vector.extract %slice3A_476[0] : i32 from vector<1xi32>
      %mul3A_478 = arith.constant 128 : i32
      %mul3A_479 = arith.muli %squeeze3A_477, %mul3A_478 : i32
      %dma_start3A_480 = arith.constant 13 : i32
      %dma_start3A_481 = arith.constant 0 : i32
      %dma_start3A_482 = arith.constant 0 : i32
      %dma_start3A_483 = tpu.memref_slice %arg12[%dma_start3A_480, %dma_start3A_481, %dma_start3A_482] : memref<16x16x128xf32, #tpu.memory_space<vmem>> -> memref<1x16x128xf32, #tpu.memory_space<vmem>>
      %dma_start3A_484 = tpu.memref_squeeze %dma_start3A_483 : memref<1x16x128xf32, #tpu.memory_space<vmem>> -> memref<16x128xf32, #tpu.memory_space<vmem>>
      %dma_start3A_485 = arith.constant 0 : i32
      %dma_start3A_486 = tpu.memref_slice %arg4[%dma_start3A_485, %mul3A_475] : memref<16x1000000xf32, #tpu.memory_space<hbm>> -> memref<16x128xf32, #tpu.memory_space<hbm>>
      %dma_start3A_487 = arith.constant 0 : i32
      %dma_start3A_488 = arith.constant 0 : i32
      %dma_start3A_489 = tpu.memref_slice %arg12[%dma_start3A_480, %dma_start3A_487, %dma_start3A_488] : memref<16x16x128xf32, #tpu.memory_space<vmem>> -> memref<1x16x128xf32, #tpu.memory_space<vmem>>
      %dma_start3A_490 = tpu.memref_squeeze %dma_start3A_489 : memref<1x16x128xf32, #tpu.memory_space<vmem>> -> memref<16x128xf32, #tpu.memory_space<vmem>>
      %dma_start3A_491 = arith.constant 0 : i32
      %dma_start3A_492 = tpu.memref_slice %arg4[%dma_start3A_491, %mul3A_475] : memref<16x1000000xf32, #tpu.memory_space<hbm>> -> memref<16x128xf32, #tpu.memory_space<hbm>>
      tpu.enqueue_dma source(%dma_start3A_492 : memref<16x128xf32, #tpu.memory_space<hbm>>) target(%dma_start3A_490 : memref<16x128xf32, #tpu.memory_space<vmem>>) target_semaphore(%arg18 : memref<!tpu.dma_semaphore, #tpu.memory_space<semaphore_mem>>)
      %dma_start3A_493 = arith.constant 13 : i32
      %dma_start3A_494 = arith.constant 0 : i32
      %dma_start3A_495 = arith.constant 0 : i32
      %dma_start3A_496 = tpu.memref_slice %arg13[%dma_start3A_493, %dma_start3A_494, %dma_start3A_495] : memref<16x16x128xf32, #tpu.memory_space<vmem>> -> memref<1x16x128xf32, #tpu.memory_space<vmem>>
      %dma_start3A_497 = tpu.memref_squeeze %dma_start3A_496 : memref<1x16x128xf32, #tpu.memory_space<vmem>> -> memref<16x128xf32, #tpu.memory_space<vmem>>
      %dma_start3A_498 = arith.constant 0 : i32
      %dma_start3A_499 = tpu.memref_slice %arg6[%dma_start3A_498, %mul3A_479] : memref<16x1000000xf32, #tpu.memory_space<hbm>> -> memref<16x128xf32, #tpu.memory_space<hbm>>
      %dma_start3A_500 = arith.constant 0 : i32
      %dma_start3A_501 = arith.constant 0 : i32
      %dma_start3A_502 = tpu.memref_slice %arg13[%dma_start3A_493, %dma_start3A_500, %dma_start3A_501] : memref<16x16x128xf32, #tpu.memory_space<vmem>> -> memref<1x16x128xf32, #tpu.memory_space<vmem>>
      %dma_start3A_503 = tpu.memref_squeeze %dma_start3A_502 : memref<1x16x128xf32, #tpu.memory_space<vmem>> -> memref<16x128xf32, #tpu.memory_space<vmem>>
      %dma_start3A_504 = arith.constant 0 : i32
      %dma_start3A_505 = tpu.memref_slice %arg6[%dma_start3A_504, %mul3A_479] : memref<16x1000000xf32, #tpu.memory_space<hbm>> -> memref<16x128xf32, #tpu.memory_space<hbm>>
      tpu.enqueue_dma source(%dma_start3A_505 : memref<16x128xf32, #tpu.memory_space<hbm>>) target(%dma_start3A_503 : memref<16x128xf32, #tpu.memory_space<vmem>>) target_semaphore(%arg18 : memref<!tpu.dma_semaphore, #tpu.memory_space<semaphore_mem>>)
      %slice3A_506 = vector.extract_strided_slice %shift_right_logical3A_23 {offsets = [14], sizes = [1], strides = [1]} : vector<16xi32> to vector<1xi32>
      %squeeze3A_507 = vector.extract %slice3A_506[0] : i32 from vector<1xi32>
      %mul3A_508 = arith.constant 128 : i32
      %mul3A_509 = arith.muli %squeeze3A_507, %mul3A_508 : i32
      %slice3A_510 = vector.extract_strided_slice %shift_right_logical3A_26 {offsets = [14], sizes = [1], strides = [1]} : vector<16xi32> to vector<1xi32>
      %squeeze3A_511 = vector.extract %slice3A_510[0] : i32 from vector<1xi32>
      %mul3A_512 = arith.constant 128 : i32
      %mul3A_513 = arith.muli %squeeze3A_511, %mul3A_512 : i32
      %dma_start3A_514 = arith.constant 14 : i32
      %dma_start3A_515 = arith.constant 0 : i32
      %dma_start3A_516 = arith.constant 0 : i32
      %dma_start3A_517 = tpu.memref_slice %arg12[%dma_start3A_514, %dma_start3A_515, %dma_start3A_516] : memref<16x16x128xf32, #tpu.memory_space<vmem>> -> memref<1x16x128xf32, #tpu.memory_space<vmem>>
      %dma_start3A_518 = tpu.memref_squeeze %dma_start3A_517 : memref<1x16x128xf32, #tpu.memory_space<vmem>> -> memref<16x128xf32, #tpu.memory_space<vmem>>
      %dma_start3A_519 = arith.constant 0 : i32
      %dma_start3A_520 = tpu.memref_slice %arg4[%dma_start3A_519, %mul3A_509] : memref<16x1000000xf32, #tpu.memory_space<hbm>> -> memref<16x128xf32, #tpu.memory_space<hbm>>
      %dma_start3A_521 = arith.constant 0 : i32
      %dma_start3A_522 = arith.constant 0 : i32
      %dma_start3A_523 = tpu.memref_slice %arg12[%dma_start3A_514, %dma_start3A_521, %dma_start3A_522] : memref<16x16x128xf32, #tpu.memory_space<vmem>> -> memref<1x16x128xf32, #tpu.memory_space<vmem>>
      %dma_start3A_524 = tpu.memref_squeeze %dma_start3A_523 : memref<1x16x128xf32, #tpu.memory_space<vmem>> -> memref<16x128xf32, #tpu.memory_space<vmem>>
      %dma_start3A_525 = arith.constant 0 : i32
      %dma_start3A_526 = tpu.memref_slice %arg4[%dma_start3A_525, %mul3A_509] : memref<16x1000000xf32, #tpu.memory_space<hbm>> -> memref<16x128xf32, #tpu.memory_space<hbm>>
      tpu.enqueue_dma source(%dma_start3A_526 : memref<16x128xf32, #tpu.memory_space<hbm>>) target(%dma_start3A_524 : memref<16x128xf32, #tpu.memory_space<vmem>>) target_semaphore(%arg18 : memref<!tpu.dma_semaphore, #tpu.memory_space<semaphore_mem>>)
      %dma_start3A_527 = arith.constant 14 : i32
      %dma_start3A_528 = arith.constant 0 : i32
      %dma_start3A_529 = arith.constant 0 : i32
      %dma_start3A_530 = tpu.memref_slice %arg13[%dma_start3A_527, %dma_start3A_528, %dma_start3A_529] : memref<16x16x128xf32, #tpu.memory_space<vmem>> -> memref<1x16x128xf32, #tpu.memory_space<vmem>>
      %dma_start3A_531 = tpu.memref_squeeze %dma_start3A_530 : memref<1x16x128xf32, #tpu.memory_space<vmem>> -> memref<16x128xf32, #tpu.memory_space<vmem>>
      %dma_start3A_532 = arith.constant 0 : i32
      %dma_start3A_533 = tpu.memref_slice %arg6[%dma_start3A_532, %mul3A_513] : memref<16x1000000xf32, #tpu.memory_space<hbm>> -> memref<16x128xf32, #tpu.memory_space<hbm>>
      %dma_start3A_534 = arith.constant 0 : i32
      %dma_start3A_535 = arith.constant 0 : i32
      %dma_start3A_536 = tpu.memref_slice %arg13[%dma_start3A_527, %dma_start3A_534, %dma_start3A_535] : memref<16x16x128xf32, #tpu.memory_space<vmem>> -> memref<1x16x128xf32, #tpu.memory_space<vmem>>
      %dma_start3A_537 = tpu.memref_squeeze %dma_start3A_536 : memref<1x16x128xf32, #tpu.memory_space<vmem>> -> memref<16x128xf32, #tpu.memory_space<vmem>>
      %dma_start3A_538 = arith.constant 0 : i32
      %dma_start3A_539 = tpu.memref_slice %arg6[%dma_start3A_538, %mul3A_513] : memref<16x1000000xf32, #tpu.memory_space<hbm>> -> memref<16x128xf32, #tpu.memory_space<hbm>>
      tpu.enqueue_dma source(%dma_start3A_539 : memref<16x128xf32, #tpu.memory_space<hbm>>) target(%dma_start3A_537 : memref<16x128xf32, #tpu.memory_space<vmem>>) target_semaphore(%arg18 : memref<!tpu.dma_semaphore, #tpu.memory_space<semaphore_mem>>)
      %slice3A_540 = vector.extract_strided_slice %shift_right_logical3A_23 {offsets = [15], sizes = [1], strides = [1]} : vector<16xi32> to vector<1xi32>
      %squeeze3A_541 = vector.extract %slice3A_540[0] : i32 from vector<1xi32>
      %mul3A_542 = arith.constant 128 : i32
      %mul3A_543 = arith.muli %squeeze3A_541, %mul3A_542 : i32
      %slice3A_544 = vector.extract_strided_slice %shift_right_logical3A_26 {offsets = [15], sizes = [1], strides = [1]} : vector<16xi32> to vector<1xi32>
      %squeeze3A_545 = vector.extract %slice3A_544[0] : i32 from vector<1xi32>
      %mul3A_546 = arith.constant 128 : i32
      %mul3A_547 = arith.muli %squeeze3A_545, %mul3A_546 : i32
      %dma_start3A_548 = arith.constant 15 : i32
      %dma_start3A_549 = arith.constant 0 : i32
      %dma_start3A_550 = arith.constant 0 : i32
      %dma_start3A_551 = tpu.memref_slice %arg12[%dma_start3A_548, %dma_start3A_549, %dma_start3A_550] : memref<16x16x128xf32, #tpu.memory_space<vmem>> -> memref<1x16x128xf32, #tpu.memory_space<vmem>>
      %dma_start3A_552 = tpu.memref_squeeze %dma_start3A_551 : memref<1x16x128xf32, #tpu.memory_space<vmem>> -> memref<16x128xf32, #tpu.memory_space<vmem>>
      %dma_start3A_553 = arith.constant 0 : i32
      %dma_start3A_554 = tpu.memref_slice %arg4[%dma_start3A_553, %mul3A_543] : memref<16x1000000xf32, #tpu.memory_space<hbm>> -> memref<16x128xf32, #tpu.memory_space<hbm>>
      %dma_start3A_555 = arith.constant 0 : i32
      %dma_start3A_556 = arith.constant 0 : i32
      %dma_start3A_557 = tpu.memref_slice %arg12[%dma_start3A_548, %dma_start3A_555, %dma_start3A_556] : memref<16x16x128xf32, #tpu.memory_space<vmem>> -> memref<1x16x128xf32, #tpu.memory_space<vmem>>
      %dma_start3A_558 = tpu.memref_squeeze %dma_start3A_557 : memref<1x16x128xf32, #tpu.memory_space<vmem>> -> memref<16x128xf32, #tpu.memory_space<vmem>>
      %dma_start3A_559 = arith.constant 0 : i32
      %dma_start3A_560 = tpu.memref_slice %arg4[%dma_start3A_559, %mul3A_543] : memref<16x1000000xf32, #tpu.memory_space<hbm>> -> memref<16x128xf32, #tpu.memory_space<hbm>>
      tpu.enqueue_dma source(%dma_start3A_560 : memref<16x128xf32, #tpu.memory_space<hbm>>) target(%dma_start3A_558 : memref<16x128xf32, #tpu.memory_space<vmem>>) target_semaphore(%arg18 : memref<!tpu.dma_semaphore, #tpu.memory_space<semaphore_mem>>)
      %dma_start3A_561 = arith.constant 15 : i32
      %dma_start3A_562 = arith.constant 0 : i32
      %dma_start3A_563 = arith.constant 0 : i32
      %dma_start3A_564 = tpu.memref_slice %arg13[%dma_start3A_561, %dma_start3A_562, %dma_start3A_563] : memref<16x16x128xf32, #tpu.memory_space<vmem>> -> memref<1x16x128xf32, #tpu.memory_space<vmem>>
      %dma_start3A_565 = tpu.memref_squeeze %dma_start3A_564 : memref<1x16x128xf32, #tpu.memory_space<vmem>> -> memref<16x128xf32, #tpu.memory_space<vmem>>
      %dma_start3A_566 = arith.constant 0 : i32
      %dma_start3A_567 = tpu.memref_slice %arg6[%dma_start3A_566, %mul3A_547] : memref<16x1000000xf32, #tpu.memory_space<hbm>> -> memref<16x128xf32, #tpu.memory_space<hbm>>
      %dma_start3A_568 = arith.constant 0 : i32
      %dma_start3A_569 = arith.constant 0 : i32
      %dma_start3A_570 = tpu.memref_slice %arg13[%dma_start3A_561, %dma_start3A_568, %dma_start3A_569] : memref<16x16x128xf32, #tpu.memory_space<vmem>> -> memref<1x16x128xf32, #tpu.memory_space<vmem>>
      %dma_start3A_571 = tpu.memref_squeeze %dma_start3A_570 : memref<1x16x128xf32, #tpu.memory_space<vmem>> -> memref<16x128xf32, #tpu.memory_space<vmem>>
      %dma_start3A_572 = arith.constant 0 : i32
      %dma_start3A_573 = tpu.memref_slice %arg6[%dma_start3A_572, %mul3A_547] : memref<16x1000000xf32, #tpu.memory_space<hbm>> -> memref<16x128xf32, #tpu.memory_space<hbm>>
      tpu.enqueue_dma source(%dma_start3A_573 : memref<16x128xf32, #tpu.memory_space<hbm>>) target(%dma_start3A_571 : memref<16x128xf32, #tpu.memory_space<vmem>>) target_semaphore(%arg18 : memref<!tpu.dma_semaphore, #tpu.memory_space<semaphore_mem>>)
      %dma_wait3A_574 = arith.constant 0 : i32
      %dma_wait3A_575 = arith.constant 0 : i32
      %dma_wait3A_576 = arith.constant 0 : i32
      %dma_wait3A_577 = tpu.memref_slice %arg12[%dma_wait3A_574, %dma_wait3A_575, %dma_wait3A_576] : memref<16x16x128xf32, #tpu.memory_space<vmem>> -> memref<1x16x128xf32, #tpu.memory_space<vmem>>
      %dma_wait3A_578 = tpu.memref_squeeze %dma_wait3A_577 : memref<1x16x128xf32, #tpu.memory_space<vmem>> -> memref<16x128xf32, #tpu.memory_space<vmem>>
      %dma_wait3A_579 = arith.constant 0 : i32
      %dma_wait3A_580 = tpu.memref_slice %arg4[%dma_wait3A_579, %mul3A_33] : memref<16x1000000xf32, #tpu.memory_space<hbm>> -> memref<16x128xf32, #tpu.memory_space<hbm>>
      %dma_wait3A_581 = arith.constant 0 : i32
      %dma_wait3A_582 = arith.constant 0 : i32
      %dma_wait3A_583 = tpu.memref_slice %arg12[%dma_wait3A_574, %dma_wait3A_581, %dma_wait3A_582] : memref<16x16x128xf32, #tpu.memory_space<vmem>> -> memref<1x16x128xf32, #tpu.memory_space<vmem>>
      %dma_wait3A_584 = tpu.memref_squeeze %dma_wait3A_583 : memref<1x16x128xf32, #tpu.memory_space<vmem>> -> memref<16x128xf32, #tpu.memory_space<vmem>>
      %dma_wait3A_585 = arith.constant 0 : i32
      %dma_wait3A_586 = tpu.memref_slice %arg4[%dma_wait3A_585, %mul3A_33] : memref<16x1000000xf32, #tpu.memory_space<hbm>> -> memref<16x128xf32, #tpu.memory_space<hbm>>
      tpu.wait_dma2 semaphore(%arg18 : memref<!tpu.dma_semaphore, #tpu.memory_space<semaphore_mem>>) src(%dma_wait3A_586 : memref<16x128xf32, #tpu.memory_space<hbm>>) dst(%dma_wait3A_584 : memref<16x128xf32, #tpu.memory_space<vmem>>)
      %dma_wait3A_587 = arith.constant 0 : i32
      %dma_wait3A_588 = arith.constant 0 : i32
      %dma_wait3A_589 = arith.constant 0 : i32
      %dma_wait3A_590 = tpu.memref_slice %arg13[%dma_wait3A_587, %dma_wait3A_588, %dma_wait3A_589] : memref<16x16x128xf32, #tpu.memory_space<vmem>> -> memref<1x16x128xf32, #tpu.memory_space<vmem>>
      %dma_wait3A_591 = tpu.memref_squeeze %dma_wait3A_590 : memref<1x16x128xf32, #tpu.memory_space<vmem>> -> memref<16x128xf32, #tpu.memory_space<vmem>>
      %dma_wait3A_592 = arith.constant 0 : i32
      %dma_wait3A_593 = tpu.memref_slice %arg6[%dma_wait3A_592, %mul3A_37] : memref<16x1000000xf32, #tpu.memory_space<hbm>> -> memref<16x128xf32, #tpu.memory_space<hbm>>
      %dma_wait3A_594 = arith.constant 0 : i32
      %dma_wait3A_595 = arith.constant 0 : i32
      %dma_wait3A_596 = tpu.memref_slice %arg13[%dma_wait3A_587, %dma_wait3A_594, %dma_wait3A_595] : memref<16x16x128xf32, #tpu.memory_space<vmem>> -> memref<1x16x128xf32, #tpu.memory_space<vmem>>
      %dma_wait3A_597 = tpu.memref_squeeze %dma_wait3A_596 : memref<1x16x128xf32, #tpu.memory_space<vmem>> -> memref<16x128xf32, #tpu.memory_space<vmem>>
      %dma_wait3A_598 = arith.constant 0 : i32
      %dma_wait3A_599 = tpu.memref_slice %arg6[%dma_wait3A_598, %mul3A_37] : memref<16x1000000xf32, #tpu.memory_space<hbm>> -> memref<16x128xf32, #tpu.memory_space<hbm>>
      tpu.wait_dma2 semaphore(%arg18 : memref<!tpu.dma_semaphore, #tpu.memory_space<semaphore_mem>>) src(%dma_wait3A_599 : memref<16x128xf32, #tpu.memory_space<hbm>>) dst(%dma_wait3A_597 : memref<16x128xf32, #tpu.memory_space<vmem>>)
      %dma_wait3A_600 = arith.constant 1 : i32
      %dma_wait3A_601 = arith.constant 0 : i32
      %dma_wait3A_602 = arith.constant 0 : i32
      %dma_wait3A_603 = tpu.memref_slice %arg12[%dma_wait3A_600, %dma_wait3A_601, %dma_wait3A_602] : memref<16x16x128xf32, #tpu.memory_space<vmem>> -> memref<1x16x128xf32, #tpu.memory_space<vmem>>
      %dma_wait3A_604 = tpu.memref_squeeze %dma_wait3A_603 : memref<1x16x128xf32, #tpu.memory_space<vmem>> -> memref<16x128xf32, #tpu.memory_space<vmem>>
      %dma_wait3A_605 = arith.constant 0 : i32
      %dma_wait3A_606 = tpu.memref_slice %arg4[%dma_wait3A_605, %mul3A_67] : memref<16x1000000xf32, #tpu.memory_space<hbm>> -> memref<16x128xf32, #tpu.memory_space<hbm>>
      %dma_wait3A_607 = arith.constant 0 : i32
      %dma_wait3A_608 = arith.constant 0 : i32
      %dma_wait3A_609 = tpu.memref_slice %arg12[%dma_wait3A_600, %dma_wait3A_607, %dma_wait3A_608] : memref<16x16x128xf32, #tpu.memory_space<vmem>> -> memref<1x16x128xf32, #tpu.memory_space<vmem>>
      %dma_wait3A_610 = tpu.memref_squeeze %dma_wait3A_609 : memref<1x16x128xf32, #tpu.memory_space<vmem>> -> memref<16x128xf32, #tpu.memory_space<vmem>>
      %dma_wait3A_611 = arith.constant 0 : i32
      %dma_wait3A_612 = tpu.memref_slice %arg4[%dma_wait3A_611, %mul3A_67] : memref<16x1000000xf32, #tpu.memory_space<hbm>> -> memref<16x128xf32, #tpu.memory_space<hbm>>
      tpu.wait_dma2 semaphore(%arg18 : memref<!tpu.dma_semaphore, #tpu.memory_space<semaphore_mem>>) src(%dma_wait3A_612 : memref<16x128xf32, #tpu.memory_space<hbm>>) dst(%dma_wait3A_610 : memref<16x128xf32, #tpu.memory_space<vmem>>)
      %dma_wait3A_613 = arith.constant 1 : i32
      %dma_wait3A_614 = arith.constant 0 : i32
      %dma_wait3A_615 = arith.constant 0 : i32
      %dma_wait3A_616 = tpu.memref_slice %arg13[%dma_wait3A_613, %dma_wait3A_614, %dma_wait3A_615] : memref<16x16x128xf32, #tpu.memory_space<vmem>> -> memref<1x16x128xf32, #tpu.memory_space<vmem>>
      %dma_wait3A_617 = tpu.memref_squeeze %dma_wait3A_616 : memref<1x16x128xf32, #tpu.memory_space<vmem>> -> memref<16x128xf32, #tpu.memory_space<vmem>>
      %dma_wait3A_618 = arith.constant 0 : i32
      %dma_wait3A_619 = tpu.memref_slice %arg6[%dma_wait3A_618, %mul3A_71] : memref<16x1000000xf32, #tpu.memory_space<hbm>> -> memref<16x128xf32, #tpu.memory_space<hbm>>
      %dma_wait3A_620 = arith.constant 0 : i32
      %dma_wait3A_621 = arith.constant 0 : i32
      %dma_wait3A_622 = tpu.memref_slice %arg13[%dma_wait3A_613, %dma_wait3A_620, %dma_wait3A_621] : memref<16x16x128xf32, #tpu.memory_space<vmem>> -> memref<1x16x128xf32, #tpu.memory_space<vmem>>
      %dma_wait3A_623 = tpu.memref_squeeze %dma_wait3A_622 : memref<1x16x128xf32, #tpu.memory_space<vmem>> -> memref<16x128xf32, #tpu.memory_space<vmem>>
      %dma_wait3A_624 = arith.constant 0 : i32
      %dma_wait3A_625 = tpu.memref_slice %arg6[%dma_wait3A_624, %mul3A_71] : memref<16x1000000xf32, #tpu.memory_space<hbm>> -> memref<16x128xf32, #tpu.memory_space<hbm>>
      tpu.wait_dma2 semaphore(%arg18 : memref<!tpu.dma_semaphore, #tpu.memory_space<semaphore_mem>>) src(%dma_wait3A_625 : memref<16x128xf32, #tpu.memory_space<hbm>>) dst(%dma_wait3A_623 : memref<16x128xf32, #tpu.memory_space<vmem>>)
      %dma_wait3A_626 = arith.constant 2 : i32
      %dma_wait3A_627 = arith.constant 0 : i32
      %dma_wait3A_628 = arith.constant 0 : i32
      %dma_wait3A_629 = tpu.memref_slice %arg12[%dma_wait3A_626, %dma_wait3A_627, %dma_wait3A_628] : memref<16x16x128xf32, #tpu.memory_space<vmem>> -> memref<1x16x128xf32, #tpu.memory_space<vmem>>
      %dma_wait3A_630 = tpu.memref_squeeze %dma_wait3A_629 : memref<1x16x128xf32, #tpu.memory_space<vmem>> -> memref<16x128xf32, #tpu.memory_space<vmem>>
      %dma_wait3A_631 = arith.constant 0 : i32
      %dma_wait3A_632 = tpu.memref_slice %arg4[%dma_wait3A_631, %mul3A_101] : memref<16x1000000xf32, #tpu.memory_space<hbm>> -> memref<16x128xf32, #tpu.memory_space<hbm>>
      %dma_wait3A_633 = arith.constant 0 : i32
      %dma_wait3A_634 = arith.constant 0 : i32
      %dma_wait3A_635 = tpu.memref_slice %arg12[%dma_wait3A_626, %dma_wait3A_633, %dma_wait3A_634] : memref<16x16x128xf32, #tpu.memory_space<vmem>> -> memref<1x16x128xf32, #tpu.memory_space<vmem>>
      %dma_wait3A_636 = tpu.memref_squeeze %dma_wait3A_635 : memref<1x16x128xf32, #tpu.memory_space<vmem>> -> memref<16x128xf32, #tpu.memory_space<vmem>>
      %dma_wait3A_637 = arith.constant 0 : i32
      %dma_wait3A_638 = tpu.memref_slice %arg4[%dma_wait3A_637, %mul3A_101] : memref<16x1000000xf32, #tpu.memory_space<hbm>> -> memref<16x128xf32, #tpu.memory_space<hbm>>
      tpu.wait_dma2 semaphore(%arg18 : memref<!tpu.dma_semaphore, #tpu.memory_space<semaphore_mem>>) src(%dma_wait3A_638 : memref<16x128xf32, #tpu.memory_space<hbm>>) dst(%dma_wait3A_636 : memref<16x128xf32, #tpu.memory_space<vmem>>)
      %dma_wait3A_639 = arith.constant 2 : i32
      %dma_wait3A_640 = arith.constant 0 : i32
      %dma_wait3A_641 = arith.constant 0 : i32
      %dma_wait3A_642 = tpu.memref_slice %arg13[%dma_wait3A_639, %dma_wait3A_640, %dma_wait3A_641] : memref<16x16x128xf32, #tpu.memory_space<vmem>> -> memref<1x16x128xf32, #tpu.memory_space<vmem>>
      %dma_wait3A_643 = tpu.memref_squeeze %dma_wait3A_642 : memref<1x16x128xf32, #tpu.memory_space<vmem>> -> memref<16x128xf32, #tpu.memory_space<vmem>>
      %dma_wait3A_644 = arith.constant 0 : i32
      %dma_wait3A_645 = tpu.memref_slice %arg6[%dma_wait3A_644, %mul3A_105] : memref<16x1000000xf32, #tpu.memory_space<hbm>> -> memref<16x128xf32, #tpu.memory_space<hbm>>
      %dma_wait3A_646 = arith.constant 0 : i32
      %dma_wait3A_647 = arith.constant 0 : i32
      %dma_wait3A_648 = tpu.memref_slice %arg13[%dma_wait3A_639, %dma_wait3A_646, %dma_wait3A_647] : memref<16x16x128xf32, #tpu.memory_space<vmem>> -> memref<1x16x128xf32, #tpu.memory_space<vmem>>
      %dma_wait3A_649 = tpu.memref_squeeze %dma_wait3A_648 : memref<1x16x128xf32, #tpu.memory_space<vmem>> -> memref<16x128xf32, #tpu.memory_space<vmem>>
      %dma_wait3A_650 = arith.constant 0 : i32
      %dma_wait3A_651 = tpu.memref_slice %arg6[%dma_wait3A_650, %mul3A_105] : memref<16x1000000xf32, #tpu.memory_space<hbm>> -> memref<16x128xf32, #tpu.memory_space<hbm>>
      tpu.wait_dma2 semaphore(%arg18 : memref<!tpu.dma_semaphore, #tpu.memory_space<semaphore_mem>>) src(%dma_wait3A_651 : memref<16x128xf32, #tpu.memory_space<hbm>>) dst(%dma_wait3A_649 : memref<16x128xf32, #tpu.memory_space<vmem>>)
      %dma_wait3A_652 = arith.constant 3 : i32
      %dma_wait3A_653 = arith.constant 0 : i32
      %dma_wait3A_654 = arith.constant 0 : i32
      %dma_wait3A_655 = tpu.memref_slice %arg12[%dma_wait3A_652, %dma_wait3A_653, %dma_wait3A_654] : memref<16x16x128xf32, #tpu.memory_space<vmem>> -> memref<1x16x128xf32, #tpu.memory_space<vmem>>
      %dma_wait3A_656 = tpu.memref_squeeze %dma_wait3A_655 : memref<1x16x128xf32, #tpu.memory_space<vmem>> -> memref<16x128xf32, #tpu.memory_space<vmem>>
      %dma_wait3A_657 = arith.constant 0 : i32
      %dma_wait3A_658 = tpu.memref_slice %arg4[%dma_wait3A_657, %mul3A_135] : memref<16x1000000xf32, #tpu.memory_space<hbm>> -> memref<16x128xf32, #tpu.memory_space<hbm>>
      %dma_wait3A_659 = arith.constant 0 : i32
      %dma_wait3A_660 = arith.constant 0 : i32
      %dma_wait3A_661 = tpu.memref_slice %arg12[%dma_wait3A_652, %dma_wait3A_659, %dma_wait3A_660] : memref<16x16x128xf32, #tpu.memory_space<vmem>> -> memref<1x16x128xf32, #tpu.memory_space<vmem>>
      %dma_wait3A_662 = tpu.memref_squeeze %dma_wait3A_661 : memref<1x16x128xf32, #tpu.memory_space<vmem>> -> memref<16x128xf32, #tpu.memory_space<vmem>>
      %dma_wait3A_663 = arith.constant 0 : i32
      %dma_wait3A_664 = tpu.memref_slice %arg4[%dma_wait3A_663, %mul3A_135] : memref<16x1000000xf32, #tpu.memory_space<hbm>> -> memref<16x128xf32, #tpu.memory_space<hbm>>
      tpu.wait_dma2 semaphore(%arg18 : memref<!tpu.dma_semaphore, #tpu.memory_space<semaphore_mem>>) src(%dma_wait3A_664 : memref<16x128xf32, #tpu.memory_space<hbm>>) dst(%dma_wait3A_662 : memref<16x128xf32, #tpu.memory_space<vmem>>)
      %dma_wait3A_665 = arith.constant 3 : i32
      %dma_wait3A_666 = arith.constant 0 : i32
      %dma_wait3A_667 = arith.constant 0 : i32
      %dma_wait3A_668 = tpu.memref_slice %arg13[%dma_wait3A_665, %dma_wait3A_666, %dma_wait3A_667] : memref<16x16x128xf32, #tpu.memory_space<vmem>> -> memref<1x16x128xf32, #tpu.memory_space<vmem>>
      %dma_wait3A_669 = tpu.memref_squeeze %dma_wait3A_668 : memref<1x16x128xf32, #tpu.memory_space<vmem>> -> memref<16x128xf32, #tpu.memory_space<vmem>>
      %dma_wait3A_670 = arith.constant 0 : i32
      %dma_wait3A_671 = tpu.memref_slice %arg6[%dma_wait3A_670, %mul3A_139] : memref<16x1000000xf32, #tpu.memory_space<hbm>> -> memref<16x128xf32, #tpu.memory_space<hbm>>
      %dma_wait3A_672 = arith.constant 0 : i32
      %dma_wait3A_673 = arith.constant 0 : i32
      %dma_wait3A_674 = tpu.memref_slice %arg13[%dma_wait3A_665, %dma_wait3A_672, %dma_wait3A_673] : memref<16x16x128xf32, #tpu.memory_space<vmem>> -> memref<1x16x128xf32, #tpu.memory_space<vmem>>
      %dma_wait3A_675 = tpu.memref_squeeze %dma_wait3A_674 : memref<1x16x128xf32, #tpu.memory_space<vmem>> -> memref<16x128xf32, #tpu.memory_space<vmem>>
      %dma_wait3A_676 = arith.constant 0 : i32
      %dma_wait3A_677 = tpu.memref_slice %arg6[%dma_wait3A_676, %mul3A_139] : memref<16x1000000xf32, #tpu.memory_space<hbm>> -> memref<16x128xf32, #tpu.memory_space<hbm>>
      tpu.wait_dma2 semaphore(%arg18 : memref<!tpu.dma_semaphore, #tpu.memory_space<semaphore_mem>>) src(%dma_wait3A_677 : memref<16x128xf32, #tpu.memory_space<hbm>>) dst(%dma_wait3A_675 : memref<16x128xf32, #tpu.memory_space<vmem>>)
      %dma_wait3A_678 = arith.constant 4 : i32
      %dma_wait3A_679 = arith.constant 0 : i32
      %dma_wait3A_680 = arith.constant 0 : i32
      %dma_wait3A_681 = tpu.memref_slice %arg12[%dma_wait3A_678, %dma_wait3A_679, %dma_wait3A_680] : memref<16x16x128xf32, #tpu.memory_space<vmem>> -> memref<1x16x128xf32, #tpu.memory_space<vmem>>
      %dma_wait3A_682 = tpu.memref_squeeze %dma_wait3A_681 : memref<1x16x128xf32, #tpu.memory_space<vmem>> -> memref<16x128xf32, #tpu.memory_space<vmem>>
      %dma_wait3A_683 = arith.constant 0 : i32
      %dma_wait3A_684 = tpu.memref_slice %arg4[%dma_wait3A_683, %mul3A_169] : memref<16x1000000xf32, #tpu.memory_space<hbm>> -> memref<16x128xf32, #tpu.memory_space<hbm>>
      %dma_wait3A_685 = arith.constant 0 : i32
      %dma_wait3A_686 = arith.constant 0 : i32
      %dma_wait3A_687 = tpu.memref_slice %arg12[%dma_wait3A_678, %dma_wait3A_685, %dma_wait3A_686] : memref<16x16x128xf32, #tpu.memory_space<vmem>> -> memref<1x16x128xf32, #tpu.memory_space<vmem>>
      %dma_wait3A_688 = tpu.memref_squeeze %dma_wait3A_687 : memref<1x16x128xf32, #tpu.memory_space<vmem>> -> memref<16x128xf32, #tpu.memory_space<vmem>>
      %dma_wait3A_689 = arith.constant 0 : i32
      %dma_wait3A_690 = tpu.memref_slice %arg4[%dma_wait3A_689, %mul3A_169] : memref<16x1000000xf32, #tpu.memory_space<hbm>> -> memref<16x128xf32, #tpu.memory_space<hbm>>
      tpu.wait_dma2 semaphore(%arg18 : memref<!tpu.dma_semaphore, #tpu.memory_space<semaphore_mem>>) src(%dma_wait3A_690 : memref<16x128xf32, #tpu.memory_space<hbm>>) dst(%dma_wait3A_688 : memref<16x128xf32, #tpu.memory_space<vmem>>)
      %dma_wait3A_691 = arith.constant 4 : i32
      %dma_wait3A_692 = arith.constant 0 : i32
      %dma_wait3A_693 = arith.constant 0 : i32
      %dma_wait3A_694 = tpu.memref_slice %arg13[%dma_wait3A_691, %dma_wait3A_692, %dma_wait3A_693] : memref<16x16x128xf32, #tpu.memory_space<vmem>> -> memref<1x16x128xf32, #tpu.memory_space<vmem>>
      %dma_wait3A_695 = tpu.memref_squeeze %dma_wait3A_694 : memref<1x16x128xf32, #tpu.memory_space<vmem>> -> memref<16x128xf32, #tpu.memory_space<vmem>>
      %dma_wait3A_696 = arith.constant 0 : i32
      %dma_wait3A_697 = tpu.memref_slice %arg6[%dma_wait3A_696, %mul3A_173] : memref<16x1000000xf32, #tpu.memory_space<hbm>> -> memref<16x128xf32, #tpu.memory_space<hbm>>
      %dma_wait3A_698 = arith.constant 0 : i32
      %dma_wait3A_699 = arith.constant 0 : i32
      %dma_wait3A_700 = tpu.memref_slice %arg13[%dma_wait3A_691, %dma_wait3A_698, %dma_wait3A_699] : memref<16x16x128xf32, #tpu.memory_space<vmem>> -> memref<1x16x128xf32, #tpu.memory_space<vmem>>
      %dma_wait3A_701 = tpu.memref_squeeze %dma_wait3A_700 : memref<1x16x128xf32, #tpu.memory_space<vmem>> -> memref<16x128xf32, #tpu.memory_space<vmem>>
      %dma_wait3A_702 = arith.constant 0 : i32
      %dma_wait3A_703 = tpu.memref_slice %arg6[%dma_wait3A_702, %mul3A_173] : memref<16x1000000xf32, #tpu.memory_space<hbm>> -> memref<16x128xf32, #tpu.memory_space<hbm>>
      tpu.wait_dma2 semaphore(%arg18 : memref<!tpu.dma_semaphore, #tpu.memory_space<semaphore_mem>>) src(%dma_wait3A_703 : memref<16x128xf32, #tpu.memory_space<hbm>>) dst(%dma_wait3A_701 : memref<16x128xf32, #tpu.memory_space<vmem>>)
      %dma_wait3A_704 = arith.constant 5 : i32
      %dma_wait3A_705 = arith.constant 0 : i32
      %dma_wait3A_706 = arith.constant 0 : i32
      %dma_wait3A_707 = tpu.memref_slice %arg12[%dma_wait3A_704, %dma_wait3A_705, %dma_wait3A_706] : memref<16x16x128xf32, #tpu.memory_space<vmem>> -> memref<1x16x128xf32, #tpu.memory_space<vmem>>
      %dma_wait3A_708 = tpu.memref_squeeze %dma_wait3A_707 : memref<1x16x128xf32, #tpu.memory_space<vmem>> -> memref<16x128xf32, #tpu.memory_space<vmem>>
      %dma_wait3A_709 = arith.constant 0 : i32
      %dma_wait3A_710 = tpu.memref_slice %arg4[%dma_wait3A_709, %mul3A_203] : memref<16x1000000xf32, #tpu.memory_space<hbm>> -> memref<16x128xf32, #tpu.memory_space<hbm>>
      %dma_wait3A_711 = arith.constant 0 : i32
      %dma_wait3A_712 = arith.constant 0 : i32
      %dma_wait3A_713 = tpu.memref_slice %arg12[%dma_wait3A_704, %dma_wait3A_711, %dma_wait3A_712] : memref<16x16x128xf32, #tpu.memory_space<vmem>> -> memref<1x16x128xf32, #tpu.memory_space<vmem>>
      %dma_wait3A_714 = tpu.memref_squeeze %dma_wait3A_713 : memref<1x16x128xf32, #tpu.memory_space<vmem>> -> memref<16x128xf32, #tpu.memory_space<vmem>>
      %dma_wait3A_715 = arith.constant 0 : i32
      %dma_wait3A_716 = tpu.memref_slice %arg4[%dma_wait3A_715, %mul3A_203] : memref<16x1000000xf32, #tpu.memory_space<hbm>> -> memref<16x128xf32, #tpu.memory_space<hbm>>
      tpu.wait_dma2 semaphore(%arg18 : memref<!tpu.dma_semaphore, #tpu.memory_space<semaphore_mem>>) src(%dma_wait3A_716 : memref<16x128xf32, #tpu.memory_space<hbm>>) dst(%dma_wait3A_714 : memref<16x128xf32, #tpu.memory_space<vmem>>)
      %dma_wait3A_717 = arith.constant 5 : i32
      %dma_wait3A_718 = arith.constant 0 : i32
      %dma_wait3A_719 = arith.constant 0 : i32
      %dma_wait3A_720 = tpu.memref_slice %arg13[%dma_wait3A_717, %dma_wait3A_718, %dma_wait3A_719] : memref<16x16x128xf32, #tpu.memory_space<vmem>> -> memref<1x16x128xf32, #tpu.memory_space<vmem>>
      %dma_wait3A_721 = tpu.memref_squeeze %dma_wait3A_720 : memref<1x16x128xf32, #tpu.memory_space<vmem>> -> memref<16x128xf32, #tpu.memory_space<vmem>>
      %dma_wait3A_722 = arith.constant 0 : i32
      %dma_wait3A_723 = tpu.memref_slice %arg6[%dma_wait3A_722, %mul3A_207] : memref<16x1000000xf32, #tpu.memory_space<hbm>> -> memref<16x128xf32, #tpu.memory_space<hbm>>
      %dma_wait3A_724 = arith.constant 0 : i32
      %dma_wait3A_725 = arith.constant 0 : i32
      %dma_wait3A_726 = tpu.memref_slice %arg13[%dma_wait3A_717, %dma_wait3A_724, %dma_wait3A_725] : memref<16x16x128xf32, #tpu.memory_space<vmem>> -> memref<1x16x128xf32, #tpu.memory_space<vmem>>
      %dma_wait3A_727 = tpu.memref_squeeze %dma_wait3A_726 : memref<1x16x128xf32, #tpu.memory_space<vmem>> -> memref<16x128xf32, #tpu.memory_space<vmem>>
      %dma_wait3A_728 = arith.constant 0 : i32
      %dma_wait3A_729 = tpu.memref_slice %arg6[%dma_wait3A_728, %mul3A_207] : memref<16x1000000xf32, #tpu.memory_space<hbm>> -> memref<16x128xf32, #tpu.memory_space<hbm>>
      tpu.wait_dma2 semaphore(%arg18 : memref<!tpu.dma_semaphore, #tpu.memory_space<semaphore_mem>>) src(%dma_wait3A_729 : memref<16x128xf32, #tpu.memory_space<hbm>>) dst(%dma_wait3A_727 : memref<16x128xf32, #tpu.memory_space<vmem>>)
      %dma_wait3A_730 = arith.constant 6 : i32
      %dma_wait3A_731 = arith.constant 0 : i32
      %dma_wait3A_732 = arith.constant 0 : i32
      %dma_wait3A_733 = tpu.memref_slice %arg12[%dma_wait3A_730, %dma_wait3A_731, %dma_wait3A_732] : memref<16x16x128xf32, #tpu.memory_space<vmem>> -> memref<1x16x128xf32, #tpu.memory_space<vmem>>
      %dma_wait3A_734 = tpu.memref_squeeze %dma_wait3A_733 : memref<1x16x128xf32, #tpu.memory_space<vmem>> -> memref<16x128xf32, #tpu.memory_space<vmem>>
      %dma_wait3A_735 = arith.constant 0 : i32
      %dma_wait3A_736 = tpu.memref_slice %arg4[%dma_wait3A_735, %mul3A_237] : memref<16x1000000xf32, #tpu.memory_space<hbm>> -> memref<16x128xf32, #tpu.memory_space<hbm>>
      %dma_wait3A_737 = arith.constant 0 : i32
      %dma_wait3A_738 = arith.constant 0 : i32
      %dma_wait3A_739 = tpu.memref_slice %arg12[%dma_wait3A_730, %dma_wait3A_737, %dma_wait3A_738] : memref<16x16x128xf32, #tpu.memory_space<vmem>> -> memref<1x16x128xf32, #tpu.memory_space<vmem>>
      %dma_wait3A_740 = tpu.memref_squeeze %dma_wait3A_739 : memref<1x16x128xf32, #tpu.memory_space<vmem>> -> memref<16x128xf32, #tpu.memory_space<vmem>>
      %dma_wait3A_741 = arith.constant 0 : i32
      %dma_wait3A_742 = tpu.memref_slice %arg4[%dma_wait3A_741, %mul3A_237] : memref<16x1000000xf32, #tpu.memory_space<hbm>> -> memref<16x128xf32, #tpu.memory_space<hbm>>
      tpu.wait_dma2 semaphore(%arg18 : memref<!tpu.dma_semaphore, #tpu.memory_space<semaphore_mem>>) src(%dma_wait3A_742 : memref<16x128xf32, #tpu.memory_space<hbm>>) dst(%dma_wait3A_740 : memref<16x128xf32, #tpu.memory_space<vmem>>)
      %dma_wait3A_743 = arith.constant 6 : i32
      %dma_wait3A_744 = arith.constant 0 : i32
      %dma_wait3A_745 = arith.constant 0 : i32
      %dma_wait3A_746 = tpu.memref_slice %arg13[%dma_wait3A_743, %dma_wait3A_744, %dma_wait3A_745] : memref<16x16x128xf32, #tpu.memory_space<vmem>> -> memref<1x16x128xf32, #tpu.memory_space<vmem>>
      %dma_wait3A_747 = tpu.memref_squeeze %dma_wait3A_746 : memref<1x16x128xf32, #tpu.memory_space<vmem>> -> memref<16x128xf32, #tpu.memory_space<vmem>>
      %dma_wait3A_748 = arith.constant 0 : i32
      %dma_wait3A_749 = tpu.memref_slice %arg6[%dma_wait3A_748, %mul3A_241] : memref<16x1000000xf32, #tpu.memory_space<hbm>> -> memref<16x128xf32, #tpu.memory_space<hbm>>
      %dma_wait3A_750 = arith.constant 0 : i32
      %dma_wait3A_751 = arith.constant 0 : i32
      %dma_wait3A_752 = tpu.memref_slice %arg13[%dma_wait3A_743, %dma_wait3A_750, %dma_wait3A_751] : memref<16x16x128xf32, #tpu.memory_space<vmem>> -> memref<1x16x128xf32, #tpu.memory_space<vmem>>
      %dma_wait3A_753 = tpu.memref_squeeze %dma_wait3A_752 : memref<1x16x128xf32, #tpu.memory_space<vmem>> -> memref<16x128xf32, #tpu.memory_space<vmem>>
      %dma_wait3A_754 = arith.constant 0 : i32
      %dma_wait3A_755 = tpu.memref_slice %arg6[%dma_wait3A_754, %mul3A_241] : memref<16x1000000xf32, #tpu.memory_space<hbm>> -> memref<16x128xf32, #tpu.memory_space<hbm>>
      tpu.wait_dma2 semaphore(%arg18 : memref<!tpu.dma_semaphore, #tpu.memory_space<semaphore_mem>>) src(%dma_wait3A_755 : memref<16x128xf32, #tpu.memory_space<hbm>>) dst(%dma_wait3A_753 : memref<16x128xf32, #tpu.memory_space<vmem>>)
      %dma_wait3A_756 = arith.constant 7 : i32
      %dma_wait3A_757 = arith.constant 0 : i32
      %dma_wait3A_758 = arith.constant 0 : i32
      %dma_wait3A_759 = tpu.memref_slice %arg12[%dma_wait3A_756, %dma_wait3A_757, %dma_wait3A_758] : memref<16x16x128xf32, #tpu.memory_space<vmem>> -> memref<1x16x128xf32, #tpu.memory_space<vmem>>
      %dma_wait3A_760 = tpu.memref_squeeze %dma_wait3A_759 : memref<1x16x128xf32, #tpu.memory_space<vmem>> -> memref<16x128xf32, #tpu.memory_space<vmem>>
      %dma_wait3A_761 = arith.constant 0 : i32
      %dma_wait3A_762 = tpu.memref_slice %arg4[%dma_wait3A_761, %mul3A_271] : memref<16x1000000xf32, #tpu.memory_space<hbm>> -> memref<16x128xf32, #tpu.memory_space<hbm>>
      %dma_wait3A_763 = arith.constant 0 : i32
      %dma_wait3A_764 = arith.constant 0 : i32
      %dma_wait3A_765 = tpu.memref_slice %arg12[%dma_wait3A_756, %dma_wait3A_763, %dma_wait3A_764] : memref<16x16x128xf32, #tpu.memory_space<vmem>> -> memref<1x16x128xf32, #tpu.memory_space<vmem>>
      %dma_wait3A_766 = tpu.memref_squeeze %dma_wait3A_765 : memref<1x16x128xf32, #tpu.memory_space<vmem>> -> memref<16x128xf32, #tpu.memory_space<vmem>>
      %dma_wait3A_767 = arith.constant 0 : i32
      %dma_wait3A_768 = tpu.memref_slice %arg4[%dma_wait3A_767, %mul3A_271] : memref<16x1000000xf32, #tpu.memory_space<hbm>> -> memref<16x128xf32, #tpu.memory_space<hbm>>
      tpu.wait_dma2 semaphore(%arg18 : memref<!tpu.dma_semaphore, #tpu.memory_space<semaphore_mem>>) src(%dma_wait3A_768 : memref<16x128xf32, #tpu.memory_space<hbm>>) dst(%dma_wait3A_766 : memref<16x128xf32, #tpu.memory_space<vmem>>)
      %dma_wait3A_769 = arith.constant 7 : i32
      %dma_wait3A_770 = arith.constant 0 : i32
      %dma_wait3A_771 = arith.constant 0 : i32
      %dma_wait3A_772 = tpu.memref_slice %arg13[%dma_wait3A_769, %dma_wait3A_770, %dma_wait3A_771] : memref<16x16x128xf32, #tpu.memory_space<vmem>> -> memref<1x16x128xf32, #tpu.memory_space<vmem>>
      %dma_wait3A_773 = tpu.memref_squeeze %dma_wait3A_772 : memref<1x16x128xf32, #tpu.memory_space<vmem>> -> memref<16x128xf32, #tpu.memory_space<vmem>>
      %dma_wait3A_774 = arith.constant 0 : i32
      %dma_wait3A_775 = tpu.memref_slice %arg6[%dma_wait3A_774, %mul3A_275] : memref<16x1000000xf32, #tpu.memory_space<hbm>> -> memref<16x128xf32, #tpu.memory_space<hbm>>
      %dma_wait3A_776 = arith.constant 0 : i32
      %dma_wait3A_777 = arith.constant 0 : i32
      %dma_wait3A_778 = tpu.memref_slice %arg13[%dma_wait3A_769, %dma_wait3A_776, %dma_wait3A_777] : memref<16x16x128xf32, #tpu.memory_space<vmem>> -> memref<1x16x128xf32, #tpu.memory_space<vmem>>
      %dma_wait3A_779 = tpu.memref_squeeze %dma_wait3A_778 : memref<1x16x128xf32, #tpu.memory_space<vmem>> -> memref<16x128xf32, #tpu.memory_space<vmem>>
      %dma_wait3A_780 = arith.constant 0 : i32
      %dma_wait3A_781 = tpu.memref_slice %arg6[%dma_wait3A_780, %mul3A_275] : memref<16x1000000xf32, #tpu.memory_space<hbm>> -> memref<16x128xf32, #tpu.memory_space<hbm>>
      tpu.wait_dma2 semaphore(%arg18 : memref<!tpu.dma_semaphore, #tpu.memory_space<semaphore_mem>>) src(%dma_wait3A_781 : memref<16x128xf32, #tpu.memory_space<hbm>>) dst(%dma_wait3A_779 : memref<16x128xf32, #tpu.memory_space<vmem>>)
      %dma_wait3A_782 = arith.constant 8 : i32
      %dma_wait3A_783 = arith.constant 0 : i32
      %dma_wait3A_784 = arith.constant 0 : i32
      %dma_wait3A_785 = tpu.memref_slice %arg12[%dma_wait3A_782, %dma_wait3A_783, %dma_wait3A_784] : memref<16x16x128xf32, #tpu.memory_space<vmem>> -> memref<1x16x128xf32, #tpu.memory_space<vmem>>
      %dma_wait3A_786 = tpu.memref_squeeze %dma_wait3A_785 : memref<1x16x128xf32, #tpu.memory_space<vmem>> -> memref<16x128xf32, #tpu.memory_space<vmem>>
      %dma_wait3A_787 = arith.constant 0 : i32
      %dma_wait3A_788 = tpu.memref_slice %arg4[%dma_wait3A_787, %mul3A_305] : memref<16x1000000xf32, #tpu.memory_space<hbm>> -> memref<16x128xf32, #tpu.memory_space<hbm>>
      %dma_wait3A_789 = arith.constant 0 : i32
      %dma_wait3A_790 = arith.constant 0 : i32
      %dma_wait3A_791 = tpu.memref_slice %arg12[%dma_wait3A_782, %dma_wait3A_789, %dma_wait3A_790] : memref<16x16x128xf32, #tpu.memory_space<vmem>> -> memref<1x16x128xf32, #tpu.memory_space<vmem>>
      %dma_wait3A_792 = tpu.memref_squeeze %dma_wait3A_791 : memref<1x16x128xf32, #tpu.memory_space<vmem>> -> memref<16x128xf32, #tpu.memory_space<vmem>>
      %dma_wait3A_793 = arith.constant 0 : i32
      %dma_wait3A_794 = tpu.memref_slice %arg4[%dma_wait3A_793, %mul3A_305] : memref<16x1000000xf32, #tpu.memory_space<hbm>> -> memref<16x128xf32, #tpu.memory_space<hbm>>
      tpu.wait_dma2 semaphore(%arg18 : memref<!tpu.dma_semaphore, #tpu.memory_space<semaphore_mem>>) src(%dma_wait3A_794 : memref<16x128xf32, #tpu.memory_space<hbm>>) dst(%dma_wait3A_792 : memref<16x128xf32, #tpu.memory_space<vmem>>)
      %dma_wait3A_795 = arith.constant 8 : i32
      %dma_wait3A_796 = arith.constant 0 : i32
      %dma_wait3A_797 = arith.constant 0 : i32
      %dma_wait3A_798 = tpu.memref_slice %arg13[%dma_wait3A_795, %dma_wait3A_796, %dma_wait3A_797] : memref<16x16x128xf32, #tpu.memory_space<vmem>> -> memref<1x16x128xf32, #tpu.memory_space<vmem>>
      %dma_wait3A_799 = tpu.memref_squeeze %dma_wait3A_798 : memref<1x16x128xf32, #tpu.memory_space<vmem>> -> memref<16x128xf32, #tpu.memory_space<vmem>>
      %dma_wait3A_800 = arith.constant 0 : i32
      %dma_wait3A_801 = tpu.memref_slice %arg6[%dma_wait3A_800, %mul3A_309] : memref<16x1000000xf32, #tpu.memory_space<hbm>> -> memref<16x128xf32, #tpu.memory_space<hbm>>
      %dma_wait3A_802 = arith.constant 0 : i32
      %dma_wait3A_803 = arith.constant 0 : i32
      %dma_wait3A_804 = tpu.memref_slice %arg13[%dma_wait3A_795, %dma_wait3A_802, %dma_wait3A_803] : memref<16x16x128xf32, #tpu.memory_space<vmem>> -> memref<1x16x128xf32, #tpu.memory_space<vmem>>
      %dma_wait3A_805 = tpu.memref_squeeze %dma_wait3A_804 : memref<1x16x128xf32, #tpu.memory_space<vmem>> -> memref<16x128xf32, #tpu.memory_space<vmem>>
      %dma_wait3A_806 = arith.constant 0 : i32
      %dma_wait3A_807 = tpu.memref_slice %arg6[%dma_wait3A_806, %mul3A_309] : memref<16x1000000xf32, #tpu.memory_space<hbm>> -> memref<16x128xf32, #tpu.memory_space<hbm>>
      tpu.wait_dma2 semaphore(%arg18 : memref<!tpu.dma_semaphore, #tpu.memory_space<semaphore_mem>>) src(%dma_wait3A_807 : memref<16x128xf32, #tpu.memory_space<hbm>>) dst(%dma_wait3A_805 : memref<16x128xf32, #tpu.memory_space<vmem>>)
      %dma_wait3A_808 = arith.constant 9 : i32
      %dma_wait3A_809 = arith.constant 0 : i32
      %dma_wait3A_810 = arith.constant 0 : i32
      %dma_wait3A_811 = tpu.memref_slice %arg12[%dma_wait3A_808, %dma_wait3A_809, %dma_wait3A_810] : memref<16x16x128xf32, #tpu.memory_space<vmem>> -> memref<1x16x128xf32, #tpu.memory_space<vmem>>
      %dma_wait3A_812 = tpu.memref_squeeze %dma_wait3A_811 : memref<1x16x128xf32, #tpu.memory_space<vmem>> -> memref<16x128xf32, #tpu.memory_space<vmem>>
      %dma_wait3A_813 = arith.constant 0 : i32
      %dma_wait3A_814 = tpu.memref_slice %arg4[%dma_wait3A_813, %mul3A_339] : memref<16x1000000xf32, #tpu.memory_space<hbm>> -> memref<16x128xf32, #tpu.memory_space<hbm>>
      %dma_wait3A_815 = arith.constant 0 : i32
      %dma_wait3A_816 = arith.constant 0 : i32
      %dma_wait3A_817 = tpu.memref_slice %arg12[%dma_wait3A_808, %dma_wait3A_815, %dma_wait3A_816] : memref<16x16x128xf32, #tpu.memory_space<vmem>> -> memref<1x16x128xf32, #tpu.memory_space<vmem>>
      %dma_wait3A_818 = tpu.memref_squeeze %dma_wait3A_817 : memref<1x16x128xf32, #tpu.memory_space<vmem>> -> memref<16x128xf32, #tpu.memory_space<vmem>>
      %dma_wait3A_819 = arith.constant 0 : i32
      %dma_wait3A_820 = tpu.memref_slice %arg4[%dma_wait3A_819, %mul3A_339] : memref<16x1000000xf32, #tpu.memory_space<hbm>> -> memref<16x128xf32, #tpu.memory_space<hbm>>
      tpu.wait_dma2 semaphore(%arg18 : memref<!tpu.dma_semaphore, #tpu.memory_space<semaphore_mem>>) src(%dma_wait3A_820 : memref<16x128xf32, #tpu.memory_space<hbm>>) dst(%dma_wait3A_818 : memref<16x128xf32, #tpu.memory_space<vmem>>)
      %dma_wait3A_821 = arith.constant 9 : i32
      %dma_wait3A_822 = arith.constant 0 : i32
      %dma_wait3A_823 = arith.constant 0 : i32
      %dma_wait3A_824 = tpu.memref_slice %arg13[%dma_wait3A_821, %dma_wait3A_822, %dma_wait3A_823] : memref<16x16x128xf32, #tpu.memory_space<vmem>> -> memref<1x16x128xf32, #tpu.memory_space<vmem>>
      %dma_wait3A_825 = tpu.memref_squeeze %dma_wait3A_824 : memref<1x16x128xf32, #tpu.memory_space<vmem>> -> memref<16x128xf32, #tpu.memory_space<vmem>>
      %dma_wait3A_826 = arith.constant 0 : i32
      %dma_wait3A_827 = tpu.memref_slice %arg6[%dma_wait3A_826, %mul3A_343] : memref<16x1000000xf32, #tpu.memory_space<hbm>> -> memref<16x128xf32, #tpu.memory_space<hbm>>
      %dma_wait3A_828 = arith.constant 0 : i32
      %dma_wait3A_829 = arith.constant 0 : i32
      %dma_wait3A_830 = tpu.memref_slice %arg13[%dma_wait3A_821, %dma_wait3A_828, %dma_wait3A_829] : memref<16x16x128xf32, #tpu.memory_space<vmem>> -> memref<1x16x128xf32, #tpu.memory_space<vmem>>
      %dma_wait3A_831 = tpu.memref_squeeze %dma_wait3A_830 : memref<1x16x128xf32, #tpu.memory_space<vmem>> -> memref<16x128xf32, #tpu.memory_space<vmem>>
      %dma_wait3A_832 = arith.constant 0 : i32
      %dma_wait3A_833 = tpu.memref_slice %arg6[%dma_wait3A_832, %mul3A_343] : memref<16x1000000xf32, #tpu.memory_space<hbm>> -> memref<16x128xf32, #tpu.memory_space<hbm>>
      tpu.wait_dma2 semaphore(%arg18 : memref<!tpu.dma_semaphore, #tpu.memory_space<semaphore_mem>>) src(%dma_wait3A_833 : memref<16x128xf32, #tpu.memory_space<hbm>>) dst(%dma_wait3A_831 : memref<16x128xf32, #tpu.memory_space<vmem>>)
      %dma_wait3A_834 = arith.constant 10 : i32
      %dma_wait3A_835 = arith.constant 0 : i32
      %dma_wait3A_836 = arith.constant 0 : i32
      %dma_wait3A_837 = tpu.memref_slice %arg12[%dma_wait3A_834, %dma_wait3A_835, %dma_wait3A_836] : memref<16x16x128xf32, #tpu.memory_space<vmem>> -> memref<1x16x128xf32, #tpu.memory_space<vmem>>
      %dma_wait3A_838 = tpu.memref_squeeze %dma_wait3A_837 : memref<1x16x128xf32, #tpu.memory_space<vmem>> -> memref<16x128xf32, #tpu.memory_space<vmem>>
      %dma_wait3A_839 = arith.constant 0 : i32
      %dma_wait3A_840 = tpu.memref_slice %arg4[%dma_wait3A_839, %mul3A_373] : memref<16x1000000xf32, #tpu.memory_space<hbm>> -> memref<16x128xf32, #tpu.memory_space<hbm>>
      %dma_wait3A_841 = arith.constant 0 : i32
      %dma_wait3A_842 = arith.constant 0 : i32
      %dma_wait3A_843 = tpu.memref_slice %arg12[%dma_wait3A_834, %dma_wait3A_841, %dma_wait3A_842] : memref<16x16x128xf32, #tpu.memory_space<vmem>> -> memref<1x16x128xf32, #tpu.memory_space<vmem>>
      %dma_wait3A_844 = tpu.memref_squeeze %dma_wait3A_843 : memref<1x16x128xf32, #tpu.memory_space<vmem>> -> memref<16x128xf32, #tpu.memory_space<vmem>>
      %dma_wait3A_845 = arith.constant 0 : i32
      %dma_wait3A_846 = tpu.memref_slice %arg4[%dma_wait3A_845, %mul3A_373] : memref<16x1000000xf32, #tpu.memory_space<hbm>> -> memref<16x128xf32, #tpu.memory_space<hbm>>
      tpu.wait_dma2 semaphore(%arg18 : memref<!tpu.dma_semaphore, #tpu.memory_space<semaphore_mem>>) src(%dma_wait3A_846 : memref<16x128xf32, #tpu.memory_space<hbm>>) dst(%dma_wait3A_844 : memref<16x128xf32, #tpu.memory_space<vmem>>)
      %dma_wait3A_847 = arith.constant 10 : i32
      %dma_wait3A_848 = arith.constant 0 : i32
      %dma_wait3A_849 = arith.constant 0 : i32
      %dma_wait3A_850 = tpu.memref_slice %arg13[%dma_wait3A_847, %dma_wait3A_848, %dma_wait3A_849] : memref<16x16x128xf32, #tpu.memory_space<vmem>> -> memref<1x16x128xf32, #tpu.memory_space<vmem>>
      %dma_wait3A_851 = tpu.memref_squeeze %dma_wait3A_850 : memref<1x16x128xf32, #tpu.memory_space<vmem>> -> memref<16x128xf32, #tpu.memory_space<vmem>>
      %dma_wait3A_852 = arith.constant 0 : i32
      %dma_wait3A_853 = tpu.memref_slice %arg6[%dma_wait3A_852, %mul3A_377] : memref<16x1000000xf32, #tpu.memory_space<hbm>> -> memref<16x128xf32, #tpu.memory_space<hbm>>
      %dma_wait3A_854 = arith.constant 0 : i32
      %dma_wait3A_855 = arith.constant 0 : i32
      %dma_wait3A_856 = tpu.memref_slice %arg13[%dma_wait3A_847, %dma_wait3A_854, %dma_wait3A_855] : memref<16x16x128xf32, #tpu.memory_space<vmem>> -> memref<1x16x128xf32, #tpu.memory_space<vmem>>
      %dma_wait3A_857 = tpu.memref_squeeze %dma_wait3A_856 : memref<1x16x128xf32, #tpu.memory_space<vmem>> -> memref<16x128xf32, #tpu.memory_space<vmem>>
      %dma_wait3A_858 = arith.constant 0 : i32
      %dma_wait3A_859 = tpu.memref_slice %arg6[%dma_wait3A_858, %mul3A_377] : memref<16x1000000xf32, #tpu.memory_space<hbm>> -> memref<16x128xf32, #tpu.memory_space<hbm>>
      tpu.wait_dma2 semaphore(%arg18 : memref<!tpu.dma_semaphore, #tpu.memory_space<semaphore_mem>>) src(%dma_wait3A_859 : memref<16x128xf32, #tpu.memory_space<hbm>>) dst(%dma_wait3A_857 : memref<16x128xf32, #tpu.memory_space<vmem>>)
      %dma_wait3A_860 = arith.constant 11 : i32
      %dma_wait3A_861 = arith.constant 0 : i32
      %dma_wait3A_862 = arith.constant 0 : i32
      %dma_wait3A_863 = tpu.memref_slice %arg12[%dma_wait3A_860, %dma_wait3A_861, %dma_wait3A_862] : memref<16x16x128xf32, #tpu.memory_space<vmem>> -> memref<1x16x128xf32, #tpu.memory_space<vmem>>
      %dma_wait3A_864 = tpu.memref_squeeze %dma_wait3A_863 : memref<1x16x128xf32, #tpu.memory_space<vmem>> -> memref<16x128xf32, #tpu.memory_space<vmem>>
      %dma_wait3A_865 = arith.constant 0 : i32
      %dma_wait3A_866 = tpu.memref_slice %arg4[%dma_wait3A_865, %mul3A_407] : memref<16x1000000xf32, #tpu.memory_space<hbm>> -> memref<16x128xf32, #tpu.memory_space<hbm>>
      %dma_wait3A_867 = arith.constant 0 : i32
      %dma_wait3A_868 = arith.constant 0 : i32
      %dma_wait3A_869 = tpu.memref_slice %arg12[%dma_wait3A_860, %dma_wait3A_867, %dma_wait3A_868] : memref<16x16x128xf32, #tpu.memory_space<vmem>> -> memref<1x16x128xf32, #tpu.memory_space<vmem>>
      %dma_wait3A_870 = tpu.memref_squeeze %dma_wait3A_869 : memref<1x16x128xf32, #tpu.memory_space<vmem>> -> memref<16x128xf32, #tpu.memory_space<vmem>>
      %dma_wait3A_871 = arith.constant 0 : i32
      %dma_wait3A_872 = tpu.memref_slice %arg4[%dma_wait3A_871, %mul3A_407] : memref<16x1000000xf32, #tpu.memory_space<hbm>> -> memref<16x128xf32, #tpu.memory_space<hbm>>
      tpu.wait_dma2 semaphore(%arg18 : memref<!tpu.dma_semaphore, #tpu.memory_space<semaphore_mem>>) src(%dma_wait3A_872 : memref<16x128xf32, #tpu.memory_space<hbm>>) dst(%dma_wait3A_870 : memref<16x128xf32, #tpu.memory_space<vmem>>)
      %dma_wait3A_873 = arith.constant 11 : i32
      %dma_wait3A_874 = arith.constant 0 : i32
      %dma_wait3A_875 = arith.constant 0 : i32
      %dma_wait3A_876 = tpu.memref_slice %arg13[%dma_wait3A_873, %dma_wait3A_874, %dma_wait3A_875] : memref<16x16x128xf32, #tpu.memory_space<vmem>> -> memref<1x16x128xf32, #tpu.memory_space<vmem>>
      %dma_wait3A_877 = tpu.memref_squeeze %dma_wait3A_876 : memref<1x16x128xf32, #tpu.memory_space<vmem>> -> memref<16x128xf32, #tpu.memory_space<vmem>>
      %dma_wait3A_878 = arith.constant 0 : i32
      %dma_wait3A_879 = tpu.memref_slice %arg6[%dma_wait3A_878, %mul3A_411] : memref<16x1000000xf32, #tpu.memory_space<hbm>> -> memref<16x128xf32, #tpu.memory_space<hbm>>
      %dma_wait3A_880 = arith.constant 0 : i32
      %dma_wait3A_881 = arith.constant 0 : i32
      %dma_wait3A_882 = tpu.memref_slice %arg13[%dma_wait3A_873, %dma_wait3A_880, %dma_wait3A_881] : memref<16x16x128xf32, #tpu.memory_space<vmem>> -> memref<1x16x128xf32, #tpu.memory_space<vmem>>
      %dma_wait3A_883 = tpu.memref_squeeze %dma_wait3A_882 : memref<1x16x128xf32, #tpu.memory_space<vmem>> -> memref<16x128xf32, #tpu.memory_space<vmem>>
      %dma_wait3A_884 = arith.constant 0 : i32
      %dma_wait3A_885 = tpu.memref_slice %arg6[%dma_wait3A_884, %mul3A_411] : memref<16x1000000xf32, #tpu.memory_space<hbm>> -> memref<16x128xf32, #tpu.memory_space<hbm>>
      tpu.wait_dma2 semaphore(%arg18 : memref<!tpu.dma_semaphore, #tpu.memory_space<semaphore_mem>>) src(%dma_wait3A_885 : memref<16x128xf32, #tpu.memory_space<hbm>>) dst(%dma_wait3A_883 : memref<16x128xf32, #tpu.memory_space<vmem>>)
      %dma_wait3A_886 = arith.constant 12 : i32
      %dma_wait3A_887 = arith.constant 0 : i32
      %dma_wait3A_888 = arith.constant 0 : i32
      %dma_wait3A_889 = tpu.memref_slice %arg12[%dma_wait3A_886, %dma_wait3A_887, %dma_wait3A_888] : memref<16x16x128xf32, #tpu.memory_space<vmem>> -> memref<1x16x128xf32, #tpu.memory_space<vmem>>
      %dma_wait3A_890 = tpu.memref_squeeze %dma_wait3A_889 : memref<1x16x128xf32, #tpu.memory_space<vmem>> -> memref<16x128xf32, #tpu.memory_space<vmem>>
      %dma_wait3A_891 = arith.constant 0 : i32
      %dma_wait3A_892 = tpu.memref_slice %arg4[%dma_wait3A_891, %mul3A_441] : memref<16x1000000xf32, #tpu.memory_space<hbm>> -> memref<16x128xf32, #tpu.memory_space<hbm>>
      %dma_wait3A_893 = arith.constant 0 : i32
      %dma_wait3A_894 = arith.constant 0 : i32
      %dma_wait3A_895 = tpu.memref_slice %arg12[%dma_wait3A_886, %dma_wait3A_893, %dma_wait3A_894] : memref<16x16x128xf32, #tpu.memory_space<vmem>> -> memref<1x16x128xf32, #tpu.memory_space<vmem>>
      %dma_wait3A_896 = tpu.memref_squeeze %dma_wait3A_895 : memref<1x16x128xf32, #tpu.memory_space<vmem>> -> memref<16x128xf32, #tpu.memory_space<vmem>>
      %dma_wait3A_897 = arith.constant 0 : i32
      %dma_wait3A_898 = tpu.memref_slice %arg4[%dma_wait3A_897, %mul3A_441] : memref<16x1000000xf32, #tpu.memory_space<hbm>> -> memref<16x128xf32, #tpu.memory_space<hbm>>
      tpu.wait_dma2 semaphore(%arg18 : memref<!tpu.dma_semaphore, #tpu.memory_space<semaphore_mem>>) src(%dma_wait3A_898 : memref<16x128xf32, #tpu.memory_space<hbm>>) dst(%dma_wait3A_896 : memref<16x128xf32, #tpu.memory_space<vmem>>)
      %dma_wait3A_899 = arith.constant 12 : i32
      %dma_wait3A_900 = arith.constant 0 : i32
      %dma_wait3A_901 = arith.constant 0 : i32
      %dma_wait3A_902 = tpu.memref_slice %arg13[%dma_wait3A_899, %dma_wait3A_900, %dma_wait3A_901] : memref<16x16x128xf32, #tpu.memory_space<vmem>> -> memref<1x16x128xf32, #tpu.memory_space<vmem>>
      %dma_wait3A_903 = tpu.memref_squeeze %dma_wait3A_902 : memref<1x16x128xf32, #tpu.memory_space<vmem>> -> memref<16x128xf32, #tpu.memory_space<vmem>>
      %dma_wait3A_904 = arith.constant 0 : i32
      %dma_wait3A_905 = tpu.memref_slice %arg6[%dma_wait3A_904, %mul3A_445] : memref<16x1000000xf32, #tpu.memory_space<hbm>> -> memref<16x128xf32, #tpu.memory_space<hbm>>
      %dma_wait3A_906 = arith.constant 0 : i32
      %dma_wait3A_907 = arith.constant 0 : i32
      %dma_wait3A_908 = tpu.memref_slice %arg13[%dma_wait3A_899, %dma_wait3A_906, %dma_wait3A_907] : memref<16x16x128xf32, #tpu.memory_space<vmem>> -> memref<1x16x128xf32, #tpu.memory_space<vmem>>
      %dma_wait3A_909 = tpu.memref_squeeze %dma_wait3A_908 : memref<1x16x128xf32, #tpu.memory_space<vmem>> -> memref<16x128xf32, #tpu.memory_space<vmem>>
      %dma_wait3A_910 = arith.constant 0 : i32
      %dma_wait3A_911 = tpu.memref_slice %arg6[%dma_wait3A_910, %mul3A_445] : memref<16x1000000xf32, #tpu.memory_space<hbm>> -> memref<16x128xf32, #tpu.memory_space<hbm>>
      tpu.wait_dma2 semaphore(%arg18 : memref<!tpu.dma_semaphore, #tpu.memory_space<semaphore_mem>>) src(%dma_wait3A_911 : memref<16x128xf32, #tpu.memory_space<hbm>>) dst(%dma_wait3A_909 : memref<16x128xf32, #tpu.memory_space<vmem>>)
      %dma_wait3A_912 = arith.constant 13 : i32
      %dma_wait3A_913 = arith.constant 0 : i32
      %dma_wait3A_914 = arith.constant 0 : i32
      %dma_wait3A_915 = tpu.memref_slice %arg12[%dma_wait3A_912, %dma_wait3A_913, %dma_wait3A_914] : memref<16x16x128xf32, #tpu.memory_space<vmem>> -> memref<1x16x128xf32, #tpu.memory_space<vmem>>
      %dma_wait3A_916 = tpu.memref_squeeze %dma_wait3A_915 : memref<1x16x128xf32, #tpu.memory_space<vmem>> -> memref<16x128xf32, #tpu.memory_space<vmem>>
      %dma_wait3A_917 = arith.constant 0 : i32
      %dma_wait3A_918 = tpu.memref_slice %arg4[%dma_wait3A_917, %mul3A_475] : memref<16x1000000xf32, #tpu.memory_space<hbm>> -> memref<16x128xf32, #tpu.memory_space<hbm>>
      %dma_wait3A_919 = arith.constant 0 : i32
      %dma_wait3A_920 = arith.constant 0 : i32
      %dma_wait3A_921 = tpu.memref_slice %arg12[%dma_wait3A_912, %dma_wait3A_919, %dma_wait3A_920] : memref<16x16x128xf32, #tpu.memory_space<vmem>> -> memref<1x16x128xf32, #tpu.memory_space<vmem>>
      %dma_wait3A_922 = tpu.memref_squeeze %dma_wait3A_921 : memref<1x16x128xf32, #tpu.memory_space<vmem>> -> memref<16x128xf32, #tpu.memory_space<vmem>>
      %dma_wait3A_923 = arith.constant 0 : i32
      %dma_wait3A_924 = tpu.memref_slice %arg4[%dma_wait3A_923, %mul3A_475] : memref<16x1000000xf32, #tpu.memory_space<hbm>> -> memref<16x128xf32, #tpu.memory_space<hbm>>
      tpu.wait_dma2 semaphore(%arg18 : memref<!tpu.dma_semaphore, #tpu.memory_space<semaphore_mem>>) src(%dma_wait3A_924 : memref<16x128xf32, #tpu.memory_space<hbm>>) dst(%dma_wait3A_922 : memref<16x128xf32, #tpu.memory_space<vmem>>)
      %dma_wait3A_925 = arith.constant 13 : i32
      %dma_wait3A_926 = arith.constant 0 : i32
      %dma_wait3A_927 = arith.constant 0 : i32
      %dma_wait3A_928 = tpu.memref_slice %arg13[%dma_wait3A_925, %dma_wait3A_926, %dma_wait3A_927] : memref<16x16x128xf32, #tpu.memory_space<vmem>> -> memref<1x16x128xf32, #tpu.memory_space<vmem>>
      %dma_wait3A_929 = tpu.memref_squeeze %dma_wait3A_928 : memref<1x16x128xf32, #tpu.memory_space<vmem>> -> memref<16x128xf32, #tpu.memory_space<vmem>>
      %dma_wait3A_930 = arith.constant 0 : i32
      %dma_wait3A_931 = tpu.memref_slice %arg6[%dma_wait3A_930, %mul3A_479] : memref<16x1000000xf32, #tpu.memory_space<hbm>> -> memref<16x128xf32, #tpu.memory_space<hbm>>
      %dma_wait3A_932 = arith.constant 0 : i32
      %dma_wait3A_933 = arith.constant 0 : i32
      %dma_wait3A_934 = tpu.memref_slice %arg13[%dma_wait3A_925, %dma_wait3A_932, %dma_wait3A_933] : memref<16x16x128xf32, #tpu.memory_space<vmem>> -> memref<1x16x128xf32, #tpu.memory_space<vmem>>
      %dma_wait3A_935 = tpu.memref_squeeze %dma_wait3A_934 : memref<1x16x128xf32, #tpu.memory_space<vmem>> -> memref<16x128xf32, #tpu.memory_space<vmem>>
      %dma_wait3A_936 = arith.constant 0 : i32
      %dma_wait3A_937 = tpu.memref_slice %arg6[%dma_wait3A_936, %mul3A_479] : memref<16x1000000xf32, #tpu.memory_space<hbm>> -> memref<16x128xf32, #tpu.memory_space<hbm>>
      tpu.wait_dma2 semaphore(%arg18 : memref<!tpu.dma_semaphore, #tpu.memory_space<semaphore_mem>>) src(%dma_wait3A_937 : memref<16x128xf32, #tpu.memory_space<hbm>>) dst(%dma_wait3A_935 : memref<16x128xf32, #tpu.memory_space<vmem>>)
      %dma_wait3A_938 = arith.constant 14 : i32
      %dma_wait3A_939 = arith.constant 0 : i32
      %dma_wait3A_940 = arith.constant 0 : i32
      %dma_wait3A_941 = tpu.memref_slice %arg12[%dma_wait3A_938, %dma_wait3A_939, %dma_wait3A_940] : memref<16x16x128xf32, #tpu.memory_space<vmem>> -> memref<1x16x128xf32, #tpu.memory_space<vmem>>
      %dma_wait3A_942 = tpu.memref_squeeze %dma_wait3A_941 : memref<1x16x128xf32, #tpu.memory_space<vmem>> -> memref<16x128xf32, #tpu.memory_space<vmem>>
      %dma_wait3A_943 = arith.constant 0 : i32
      %dma_wait3A_944 = tpu.memref_slice %arg4[%dma_wait3A_943, %mul3A_509] : memref<16x1000000xf32, #tpu.memory_space<hbm>> -> memref<16x128xf32, #tpu.memory_space<hbm>>
      %dma_wait3A_945 = arith.constant 0 : i32
      %dma_wait3A_946 = arith.constant 0 : i32
      %dma_wait3A_947 = tpu.memref_slice %arg12[%dma_wait3A_938, %dma_wait3A_945, %dma_wait3A_946] : memref<16x16x128xf32, #tpu.memory_space<vmem>> -> memref<1x16x128xf32, #tpu.memory_space<vmem>>
      %dma_wait3A_948 = tpu.memref_squeeze %dma_wait3A_947 : memref<1x16x128xf32, #tpu.memory_space<vmem>> -> memref<16x128xf32, #tpu.memory_space<vmem>>
      %dma_wait3A_949 = arith.constant 0 : i32
      %dma_wait3A_950 = tpu.memref_slice %arg4[%dma_wait3A_949, %mul3A_509] : memref<16x1000000xf32, #tpu.memory_space<hbm>> -> memref<16x128xf32, #tpu.memory_space<hbm>>
      tpu.wait_dma2 semaphore(%arg18 : memref<!tpu.dma_semaphore, #tpu.memory_space<semaphore_mem>>) src(%dma_wait3A_950 : memref<16x128xf32, #tpu.memory_space<hbm>>) dst(%dma_wait3A_948 : memref<16x128xf32, #tpu.memory_space<vmem>>)
      %dma_wait3A_951 = arith.constant 14 : i32
      %dma_wait3A_952 = arith.constant 0 : i32
      %dma_wait3A_953 = arith.constant 0 : i32
      %dma_wait3A_954 = tpu.memref_slice %arg13[%dma_wait3A_951, %dma_wait3A_952, %dma_wait3A_953] : memref<16x16x128xf32, #tpu.memory_space<vmem>> -> memref<1x16x128xf32, #tpu.memory_space<vmem>>
      %dma_wait3A_955 = tpu.memref_squeeze %dma_wait3A_954 : memref<1x16x128xf32, #tpu.memory_space<vmem>> -> memref<16x128xf32, #tpu.memory_space<vmem>>
      %dma_wait3A_956 = arith.constant 0 : i32
      %dma_wait3A_957 = tpu.memref_slice %arg6[%dma_wait3A_956, %mul3A_513] : memref<16x1000000xf32, #tpu.memory_space<hbm>> -> memref<16x128xf32, #tpu.memory_space<hbm>>
      %dma_wait3A_958 = arith.constant 0 : i32
      %dma_wait3A_959 = arith.constant 0 : i32
      %dma_wait3A_960 = tpu.memref_slice %arg13[%dma_wait3A_951, %dma_wait3A_958, %dma_wait3A_959] : memref<16x16x128xf32, #tpu.memory_space<vmem>> -> memref<1x16x128xf32, #tpu.memory_space<vmem>>
      %dma_wait3A_961 = tpu.memref_squeeze %dma_wait3A_960 : memref<1x16x128xf32, #tpu.memory_space<vmem>> -> memref<16x128xf32, #tpu.memory_space<vmem>>
      %dma_wait3A_962 = arith.constant 0 : i32
      %dma_wait3A_963 = tpu.memref_slice %arg6[%dma_wait3A_962, %mul3A_513] : memref<16x1000000xf32, #tpu.memory_space<hbm>> -> memref<16x128xf32, #tpu.memory_space<hbm>>
      tpu.wait_dma2 semaphore(%arg18 : memref<!tpu.dma_semaphore, #tpu.memory_space<semaphore_mem>>) src(%dma_wait3A_963 : memref<16x128xf32, #tpu.memory_space<hbm>>) dst(%dma_wait3A_961 : memref<16x128xf32, #tpu.memory_space<vmem>>)
      %dma_wait3A_964 = arith.constant 15 : i32
      %dma_wait3A_965 = arith.constant 0 : i32
      %dma_wait3A_966 = arith.constant 0 : i32
      %dma_wait3A_967 = tpu.memref_slice %arg12[%dma_wait3A_964, %dma_wait3A_965, %dma_wait3A_966] : memref<16x16x128xf32, #tpu.memory_space<vmem>> -> memref<1x16x128xf32, #tpu.memory_space<vmem>>
      %dma_wait3A_968 = tpu.memref_squeeze %dma_wait3A_967 : memref<1x16x128xf32, #tpu.memory_space<vmem>> -> memref<16x128xf32, #tpu.memory_space<vmem>>
      %dma_wait3A_969 = arith.constant 0 : i32
      %dma_wait3A_970 = tpu.memref_slice %arg4[%dma_wait3A_969, %mul3A_543] : memref<16x1000000xf32, #tpu.memory_space<hbm>> -> memref<16x128xf32, #tpu.memory_space<hbm>>
      %dma_wait3A_971 = arith.constant 0 : i32
      %dma_wait3A_972 = arith.constant 0 : i32
      %dma_wait3A_973 = tpu.memref_slice %arg12[%dma_wait3A_964, %dma_wait3A_971, %dma_wait3A_972] : memref<16x16x128xf32, #tpu.memory_space<vmem>> -> memref<1x16x128xf32, #tpu.memory_space<vmem>>
      %dma_wait3A_974 = tpu.memref_squeeze %dma_wait3A_973 : memref<1x16x128xf32, #tpu.memory_space<vmem>> -> memref<16x128xf32, #tpu.memory_space<vmem>>
      %dma_wait3A_975 = arith.constant 0 : i32
      %dma_wait3A_976 = tpu.memref_slice %arg4[%dma_wait3A_975, %mul3A_543] : memref<16x1000000xf32, #tpu.memory_space<hbm>> -> memref<16x128xf32, #tpu.memory_space<hbm>>
      tpu.wait_dma2 semaphore(%arg18 : memref<!tpu.dma_semaphore, #tpu.memory_space<semaphore_mem>>) src(%dma_wait3A_976 : memref<16x128xf32, #tpu.memory_space<hbm>>) dst(%dma_wait3A_974 : memref<16x128xf32, #tpu.memory_space<vmem>>)
      %dma_wait3A_977 = arith.constant 15 : i32
      %dma_wait3A_978 = arith.constant 0 : i32
      %dma_wait3A_979 = arith.constant 0 : i32
      %dma_wait3A_980 = tpu.memref_slice %arg13[%dma_wait3A_977, %dma_wait3A_978, %dma_wait3A_979] : memref<16x16x128xf32, #tpu.memory_space<vmem>> -> memref<1x16x128xf32, #tpu.memory_space<vmem>>
      %dma_wait3A_981 = tpu.memref_squeeze %dma_wait3A_980 : memref<1x16x128xf32, #tpu.memory_space<vmem>> -> memref<16x128xf32, #tpu.memory_space<vmem>>
      %dma_wait3A_982 = arith.constant 0 : i32
      %dma_wait3A_983 = tpu.memref_slice %arg6[%dma_wait3A_982, %mul3A_547] : memref<16x1000000xf32, #tpu.memory_space<hbm>> -> memref<16x128xf32, #tpu.memory_space<hbm>>
      %dma_wait3A_984 = arith.constant 0 : i32
      %dma_wait3A_985 = arith.constant 0 : i32
      %dma_wait3A_986 = tpu.memref_slice %arg13[%dma_wait3A_977, %dma_wait3A_984, %dma_wait3A_985] : memref<16x16x128xf32, #tpu.memory_space<vmem>> -> memref<1x16x128xf32, #tpu.memory_space<vmem>>
      %dma_wait3A_987 = tpu.memref_squeeze %dma_wait3A_986 : memref<1x16x128xf32, #tpu.memory_space<vmem>> -> memref<16x128xf32, #tpu.memory_space<vmem>>
      %dma_wait3A_988 = arith.constant 0 : i32
      %dma_wait3A_989 = tpu.memref_slice %arg6[%dma_wait3A_988, %mul3A_547] : memref<16x1000000xf32, #tpu.memory_space<hbm>> -> memref<16x128xf32, #tpu.memory_space<hbm>>
      tpu.wait_dma2 semaphore(%arg18 : memref<!tpu.dma_semaphore, #tpu.memory_space<semaphore_mem>>) src(%dma_wait3A_989 : memref<16x128xf32, #tpu.memory_space<hbm>>) dst(%dma_wait3A_987 : memref<16x128xf32, #tpu.memory_space<vmem>>)
      %get3A_990 = arith.index_cast %mul3A_17 : i32 to index
      %get3A_991 = tpu.vector_load %arg14[%get3A_990] {strides = array<i32>} : memref<512xf32, #tpu.memory_space<vmem>>, vector<16xf32>,
      %get3A_992 = arith.index_cast %mul3A_17 : i32 to index
      %get3A_993 = tpu.vector_load %arg15[%get3A_992] {strides = array<i32>} : memref<512xf32, #tpu.memory_space<vmem>>, vector<16xf32>,
      %broadcast_in_dim3A = arith.constant 0 : i32
      %broadcast_in_dim3A_994 = vector.broadcast %broadcast_in_dim3A : i32 to vector<16xi32>
      %gather3A = tpu.vector_load_idx %arg12[%iota3A, %broadcast_in_dim3A_994, %and3A_28] : memref<16x16x128xf32, #tpu.memory_space<vmem>>[vector<16xi32>, vector<16xi32>, vector<16xi32>], vector<16xf32>,
      %gather3A_995 = tpu.vector_load_idx %arg13[%iota3A, %broadcast_in_dim3A_994, %and3A_31] : memref<16x16x128xf32, #tpu.memory_space<vmem>>[vector<16xi32>, vector<16xi32>, vector<16xi32>], vector<16xf32>,
      %add3A_996 = arith.addf %gather3A, %get3A_991 : vector<16xf32>
      %add3A_997 = arith.addf %gather3A_995, %get3A_993 : vector<16xf32>
      %mul3A_998 = arith.mulf %add3A_996, %add3A_997 : vector<16xf32>
      %add3A_999 = arith.addf %mul3A_998, %get3A_9 : vector<16xf32>
      %swap3A = arith.constant 0 : i32
      %swap3A_1000 = arith.index_cast %swap3A : i32 to index
      %swap3A_1001 = arith.index_cast %mul3A_17 : i32 to index
      %swap3A_1002 = tpu.vector_load %arg17[%swap3A_1000, %swap3A_1001] {strides = array<i32>} : memref<16x512xf32, #tpu.memory_space<vmem>>, vector<16xf32>,
      tpu.vector_store %arg17[%swap3A_1000, %swap3A_1001], %add3A_999 {strides = array<i32>} : memref<16x512xf32, #tpu.memory_space<vmem>>, vector<16xf32>,
      %broadcast_in_dim3A_1003 = arith.constant 1 : i32
      %broadcast_in_dim3A_1004 = vector.broadcast %broadcast_in_dim3A_1003 : i32 to vector<16xi32>
      %gather3A_1005 = tpu.vector_load_idx %arg12[%iota3A, %broadcast_in_dim3A_1004, %and3A_28] : memref<16x16x128xf32, #tpu.memory_space<vmem>>[vector<16xi32>, vector<16xi32>, vector<16xi32>], vector<16xf32>,
      %gather3A_1006 = tpu.vector_load_idx %arg13[%iota3A, %broadcast_in_dim3A_1004, %and3A_31] : memref<16x16x128xf32, #tpu.memory_space<vmem>>[vector<16xi32>, vector<16xi32>, vector<16xi32>], vector<16xf32>,
      %add3A_1007 = arith.addf %gather3A_1005, %get3A_991 : vector<16xf32>
      %add3A_1008 = arith.addf %gather3A_1006, %get3A_993 : vector<16xf32>
      %mul3A_1009 = arith.mulf %add3A_1007, %add3A_1008 : vector<16xf32>
      %add3A_1010 = arith.addf %mul3A_1009, %get3A_9 : vector<16xf32>
      %swap3A_1011 = arith.constant 1 : i32
      %swap3A_1012 = arith.index_cast %swap3A_1011 : i32 to index
      %swap3A_1013 = arith.index_cast %mul3A_17 : i32 to index
      %swap3A_1014 = tpu.vector_load %arg17[%swap3A_1012, %swap3A_1013] {strides = array<i32>} : memref<16x512xf32, #tpu.memory_space<vmem>>, vector<16xf32>,
      tpu.vector_store %arg17[%swap3A_1012, %swap3A_1013], %add3A_1010 {strides = array<i32>} : memref<16x512xf32, #tpu.memory_space<vmem>>, vector<16xf32>,
      %broadcast_in_dim3A_1015 = arith.constant 2 : i32
      %broadcast_in_dim3A_1016 = vector.broadcast %broadcast_in_dim3A_1015 : i32 to vector<16xi32>
      %gather3A_1017 = tpu.vector_load_idx %arg12[%iota3A, %broadcast_in_dim3A_1016, %and3A_28] : memref<16x16x128xf32, #tpu.memory_space<vmem>>[vector<16xi32>, vector<16xi32>, vector<16xi32>], vector<16xf32>,
      %gather3A_1018 = tpu.vector_load_idx %arg13[%iota3A, %broadcast_in_dim3A_1016, %and3A_31] : memref<16x16x128xf32, #tpu.memory_space<vmem>>[vector<16xi32>, vector<16xi32>, vector<16xi32>], vector<16xf32>,
      %add3A_1019 = arith.addf %gather3A_1017, %get3A_991 : vector<16xf32>
      %add3A_1020 = arith.addf %gather3A_1018, %get3A_993 : vector<16xf32>
      %mul3A_1021 = arith.mulf %add3A_1019, %add3A_1020 : vector<16xf32>
      %add3A_1022 = arith.addf %mul3A_1021, %get3A_9 : vector<16xf32>
      %swap3A_1023 = arith.constant 2 : i32
      %swap3A_1024 = arith.index_cast %swap3A_1023 : i32 to index
      %swap3A_1025 = arith.index_cast %mul3A_17 : i32 to index
      %swap3A_1026 = tpu.vector_load %arg17[%swap3A_1024, %swap3A_1025] {strides = array<i32>} : memref<16x512xf32, #tpu.memory_space<vmem>>, vector<16xf32>,
      tpu.vector_store %arg17[%swap3A_1024, %swap3A_1025], %add3A_1022 {strides = array<i32>} : memref<16x512xf32, #tpu.memory_space<vmem>>, vector<16xf32>,
      %broadcast_in_dim3A_1027 = arith.constant 3 : i32
      %broadcast_in_dim3A_1028 = vector.broadcast %broadcast_in_dim3A_1027 : i32 to vector<16xi32>
      %gather3A_1029 = tpu.vector_load_idx %arg12[%iota3A, %broadcast_in_dim3A_1028, %and3A_28] : memref<16x16x128xf32, #tpu.memory_space<vmem>>[vector<16xi32>, vector<16xi32>, vector<16xi32>], vector<16xf32>,
      %gather3A_1030 = tpu.vector_load_idx %arg13[%iota3A, %broadcast_in_dim3A_1028, %and3A_31] : memref<16x16x128xf32, #tpu.memory_space<vmem>>[vector<16xi32>, vector<16xi32>, vector<16xi32>], vector<16xf32>,
      %add3A_1031 = arith.addf %gather3A_1029, %get3A_991 : vector<16xf32>
      %add3A_1032 = arith.addf %gather3A_1030, %get3A_993 : vector<16xf32>
      %mul3A_1033 = arith.mulf %add3A_1031, %add3A_1032 : vector<16xf32>
      %add3A_1034 = arith.addf %mul3A_1033, %get3A_9 : vector<16xf32>
      %swap3A_1035 = arith.constant 3 : i32
      %swap3A_1036 = arith.index_cast %swap3A_1035 : i32 to index
      %swap3A_1037 = arith.index_cast %mul3A_17 : i32 to index
      %swap3A_1038 = tpu.vector_load %arg17[%swap3A_1036, %swap3A_1037] {strides = array<i32>} : memref<16x512xf32, #tpu.memory_space<vmem>>, vector<16xf32>,
      tpu.vector_store %arg17[%swap3A_1036, %swap3A_1037], %add3A_1034 {strides = array<i32>} : memref<16x512xf32, #tpu.memory_space<vmem>>, vector<16xf32>,
      %broadcast_in_dim3A_1039 = arith.constant 4 : i32
      %broadcast_in_dim3A_1040 = vector.broadcast %broadcast_in_dim3A_1039 : i32 to vector<16xi32>
      %gather3A_1041 = tpu.vector_load_idx %arg12[%iota3A, %broadcast_in_dim3A_1040, %and3A_28] : memref<16x16x128xf32, #tpu.memory_space<vmem>>[vector<16xi32>, vector<16xi32>, vector<16xi32>], vector<16xf32>,
      %gather3A_1042 = tpu.vector_load_idx %arg13[%iota3A, %broadcast_in_dim3A_1040, %and3A_31] : memref<16x16x128xf32, #tpu.memory_space<vmem>>[vector<16xi32>, vector<16xi32>, vector<16xi32>], vector<16xf32>,
      %add3A_1043 = arith.addf %gather3A_1041, %get3A_991 : vector<16xf32>
      %add3A_1044 = arith.addf %gather3A_1042, %get3A_993 : vector<16xf32>
      %mul3A_1045 = arith.mulf %add3A_1043, %add3A_1044 : vector<16xf32>
      %add3A_1046 = arith.addf %mul3A_1045, %get3A_9 : vector<16xf32>
      %swap3A_1047 = arith.constant 4 : i32
      %swap3A_1048 = arith.index_cast %swap3A_1047 : i32 to index
      %swap3A_1049 = arith.index_cast %mul3A_17 : i32 to index
      %swap3A_1050 = tpu.vector_load %arg17[%swap3A_1048, %swap3A_1049] {strides = array<i32>} : memref<16x512xf32, #tpu.memory_space<vmem>>, vector<16xf32>,
      tpu.vector_store %arg17[%swap3A_1048, %swap3A_1049], %add3A_1046 {strides = array<i32>} : memref<16x512xf32, #tpu.memory_space<vmem>>, vector<16xf32>,
      %broadcast_in_dim3A_1051 = arith.constant 5 : i32
      %broadcast_in_dim3A_1052 = vector.broadcast %broadcast_in_dim3A_1051 : i32 to vector<16xi32>
      %gather3A_1053 = tpu.vector_load_idx %arg12[%iota3A, %broadcast_in_dim3A_1052, %and3A_28] : memref<16x16x128xf32, #tpu.memory_space<vmem>>[vector<16xi32>, vector<16xi32>, vector<16xi32>], vector<16xf32>,
      %gather3A_1054 = tpu.vector_load_idx %arg13[%iota3A, %broadcast_in_dim3A_1052, %and3A_31] : memref<16x16x128xf32, #tpu.memory_space<vmem>>[vector<16xi32>, vector<16xi32>, vector<16xi32>], vector<16xf32>,
      %add3A_1055 = arith.addf %gather3A_1053, %get3A_991 : vector<16xf32>
      %add3A_1056 = arith.addf %gather3A_1054, %get3A_993 : vector<16xf32>
      %mul3A_1057 = arith.mulf %add3A_1055, %add3A_1056 : vector<16xf32>
      %add3A_1058 = arith.addf %mul3A_1057, %get3A_9 : vector<16xf32>
      %swap3A_1059 = arith.constant 5 : i32
      %swap3A_1060 = arith.index_cast %swap3A_1059 : i32 to index
      %swap3A_1061 = arith.index_cast %mul3A_17 : i32 to index
      %swap3A_1062 = tpu.vector_load %arg17[%swap3A_1060, %swap3A_1061] {strides = array<i32>} : memref<16x512xf32, #tpu.memory_space<vmem>>, vector<16xf32>,
      tpu.vector_store %arg17[%swap3A_1060, %swap3A_1061], %add3A_1058 {strides = array<i32>} : memref<16x512xf32, #tpu.memory_space<vmem>>, vector<16xf32>,
      %broadcast_in_dim3A_1063 = arith.constant 6 : i32
      %broadcast_in_dim3A_1064 = vector.broadcast %broadcast_in_dim3A_1063 : i32 to vector<16xi32>
      %gather3A_1065 = tpu.vector_load_idx %arg12[%iota3A, %broadcast_in_dim3A_1064, %and3A_28] : memref<16x16x128xf32, #tpu.memory_space<vmem>>[vector<16xi32>, vector<16xi32>, vector<16xi32>], vector<16xf32>,
      %gather3A_1066 = tpu.vector_load_idx %arg13[%iota3A, %broadcast_in_dim3A_1064, %and3A_31] : memref<16x16x128xf32, #tpu.memory_space<vmem>>[vector<16xi32>, vector<16xi32>, vector<16xi32>], vector<16xf32>,
      %add3A_1067 = arith.addf %gather3A_1065, %get3A_991 : vector<16xf32>
      %add3A_1068 = arith.addf %gather3A_1066, %get3A_993 : vector<16xf32>
      %mul3A_1069 = arith.mulf %add3A_1067, %add3A_1068 : vector<16xf32>
      %add3A_1070 = arith.addf %mul3A_1069, %get3A_9 : vector<16xf32>
      %swap3A_1071 = arith.constant 6 : i32
      %swap3A_1072 = arith.index_cast %swap3A_1071 : i32 to index
      %swap3A_1073 = arith.index_cast %mul3A_17 : i32 to index
      %swap3A_1074 = tpu.vector_load %arg17[%swap3A_1072, %swap3A_1073] {strides = array<i32>} : memref<16x512xf32, #tpu.memory_space<vmem>>, vector<16xf32>,
      tpu.vector_store %arg17[%swap3A_1072, %swap3A_1073], %add3A_1070 {strides = array<i32>} : memref<16x512xf32, #tpu.memory_space<vmem>>, vector<16xf32>,
      %broadcast_in_dim3A_1075 = arith.constant 7 : i32
      %broadcast_in_dim3A_1076 = vector.broadcast %broadcast_in_dim3A_1075 : i32 to vector<16xi32>
      %gather3A_1077 = tpu.vector_load_idx %arg12[%iota3A, %broadcast_in_dim3A_1076, %and3A_28] : memref<16x16x128xf32, #tpu.memory_space<vmem>>[vector<16xi32>, vector<16xi32>, vector<16xi32>], vector<16xf32>,
      %gather3A_1078 = tpu.vector_load_idx %arg13[%iota3A, %broadcast_in_dim3A_1076, %and3A_31] : memref<16x16x128xf32, #tpu.memory_space<vmem>>[vector<16xi32>, vector<16xi32>, vector<16xi32>], vector<16xf32>,
      %add3A_1079 = arith.addf %gather3A_1077, %get3A_991 : vector<16xf32>
      %add3A_1080 = arith.addf %gather3A_1078, %get3A_993 : vector<16xf32>
      %mul3A_1081 = arith.mulf %add3A_1079, %add3A_1080 : vector<16xf32>
      %add3A_1082 = arith.addf %mul3A_1081, %get3A_9 : vector<16xf32>
      %swap3A_1083 = arith.constant 7 : i32
      %swap3A_1084 = arith.index_cast %swap3A_1083 : i32 to index
      %swap3A_1085 = arith.index_cast %mul3A_17 : i32 to index
      %swap3A_1086 = tpu.vector_load %arg17[%swap3A_1084, %swap3A_1085] {strides = array<i32>} : memref<16x512xf32, #tpu.memory_space<vmem>>, vector<16xf32>,
      tpu.vector_store %arg17[%swap3A_1084, %swap3A_1085], %add3A_1082 {strides = array<i32>} : memref<16x512xf32, #tpu.memory_space<vmem>>, vector<16xf32>,
      %broadcast_in_dim3A_1087 = arith.constant 8 : i32
      %broadcast_in_dim3A_1088 = vector.broadcast %broadcast_in_dim3A_1087 : i32 to vector<16xi32>
      %gather3A_1089 = tpu.vector_load_idx %arg12[%iota3A, %broadcast_in_dim3A_1088, %and3A_28] : memref<16x16x128xf32, #tpu.memory_space<vmem>>[vector<16xi32>, vector<16xi32>, vector<16xi32>], vector<16xf32>,
      %gather3A_1090 = tpu.vector_load_idx %arg13[%iota3A, %broadcast_in_dim3A_1088, %and3A_31] : memref<16x16x128xf32, #tpu.memory_space<vmem>>[vector<16xi32>, vector<16xi32>, vector<16xi32>], vector<16xf32>,
      %add3A_1091 = arith.addf %gather3A_1089, %get3A_991 : vector<16xf32>
      %add3A_1092 = arith.addf %gather3A_1090, %get3A_993 : vector<16xf32>
      %mul3A_1093 = arith.mulf %add3A_1091, %add3A_1092 : vector<16xf32>
      %add3A_1094 = arith.addf %mul3A_1093, %get3A_9 : vector<16xf32>
      %swap3A_1095 = arith.constant 8 : i32
      %swap3A_1096 = arith.index_cast %swap3A_1095 : i32 to index
      %swap3A_1097 = arith.index_cast %mul3A_17 : i32 to index
      %swap3A_1098 = tpu.vector_load %arg17[%swap3A_1096, %swap3A_1097] {strides = array<i32>} : memref<16x512xf32, #tpu.memory_space<vmem>>, vector<16xf32>,
      tpu.vector_store %arg17[%swap3A_1096, %swap3A_1097], %add3A_1094 {strides = array<i32>} : memref<16x512xf32, #tpu.memory_space<vmem>>, vector<16xf32>,
      %broadcast_in_dim3A_1099 = arith.constant 9 : i32
      %broadcast_in_dim3A_1100 = vector.broadcast %broadcast_in_dim3A_1099 : i32 to vector<16xi32>
      %gather3A_1101 = tpu.vector_load_idx %arg12[%iota3A, %broadcast_in_dim3A_1100, %and3A_28] : memref<16x16x128xf32, #tpu.memory_space<vmem>>[vector<16xi32>, vector<16xi32>, vector<16xi32>], vector<16xf32>,
      %gather3A_1102 = tpu.vector_load_idx %arg13[%iota3A, %broadcast_in_dim3A_1100, %and3A_31] : memref<16x16x128xf32, #tpu.memory_space<vmem>>[vector<16xi32>, vector<16xi32>, vector<16xi32>], vector<16xf32>,
      %add3A_1103 = arith.addf %gather3A_1101, %get3A_991 : vector<16xf32>
      %add3A_1104 = arith.addf %gather3A_1102, %get3A_993 : vector<16xf32>
      %mul3A_1105 = arith.mulf %add3A_1103, %add3A_1104 : vector<16xf32>
      %add3A_1106 = arith.addf %mul3A_1105, %get3A_9 : vector<16xf32>
      %swap3A_1107 = arith.constant 9 : i32
      %swap3A_1108 = arith.index_cast %swap3A_1107 : i32 to index
      %swap3A_1109 = arith.index_cast %mul3A_17 : i32 to index
      %swap3A_1110 = tpu.vector_load %arg17[%swap3A_1108, %swap3A_1109] {strides = array<i32>} : memref<16x512xf32, #tpu.memory_space<vmem>>, vector<16xf32>,
      tpu.vector_store %arg17[%swap3A_1108, %swap3A_1109], %add3A_1106 {strides = array<i32>} : memref<16x512xf32, #tpu.memory_space<vmem>>, vector<16xf32>,
      %broadcast_in_dim3A_1111 = arith.constant 10 : i32
      %broadcast_in_dim3A_1112 = vector.broadcast %broadcast_in_dim3A_1111 : i32 to vector<16xi32>
      %gather3A_1113 = tpu.vector_load_idx %arg12[%iota3A, %broadcast_in_dim3A_1112, %and3A_28] : memref<16x16x128xf32, #tpu.memory_space<vmem>>[vector<16xi32>, vector<16xi32>, vector<16xi32>], vector<16xf32>,
      %gather3A_1114 = tpu.vector_load_idx %arg13[%iota3A, %broadcast_in_dim3A_1112, %and3A_31] : memref<16x16x128xf32, #tpu.memory_space<vmem>>[vector<16xi32>, vector<16xi32>, vector<16xi32>], vector<16xf32>,
      %add3A_1115 = arith.addf %gather3A_1113, %get3A_991 : vector<16xf32>
      %add3A_1116 = arith.addf %gather3A_1114, %get3A_993 : vector<16xf32>
      %mul3A_1117 = arith.mulf %add3A_1115, %add3A_1116 : vector<16xf32>
      %add3A_1118 = arith.addf %mul3A_1117, %get3A_9 : vector<16xf32>
      %swap3A_1119 = arith.constant 10 : i32
      %swap3A_1120 = arith.index_cast %swap3A_1119 : i32 to index
      %swap3A_1121 = arith.index_cast %mul3A_17 : i32 to index
      %swap3A_1122 = tpu.vector_load %arg17[%swap3A_1120, %swap3A_1121] {strides = array<i32>} : memref<16x512xf32, #tpu.memory_space<vmem>>, vector<16xf32>,
      tpu.vector_store %arg17[%swap3A_1120, %swap3A_1121], %add3A_1118 {strides = array<i32>} : memref<16x512xf32, #tpu.memory_space<vmem>>, vector<16xf32>,
      %broadcast_in_dim3A_1123 = arith.constant 11 : i32
      %broadcast_in_dim3A_1124 = vector.broadcast %broadcast_in_dim3A_1123 : i32 to vector<16xi32>
      %gather3A_1125 = tpu.vector_load_idx %arg12[%iota3A, %broadcast_in_dim3A_1124, %and3A_28] : memref<16x16x128xf32, #tpu.memory_space<vmem>>[vector<16xi32>, vector<16xi32>, vector<16xi32>], vector<16xf32>,
      %gather3A_1126 = tpu.vector_load_idx %arg13[%iota3A, %broadcast_in_dim3A_1124, %and3A_31] : memref<16x16x128xf32, #tpu.memory_space<vmem>>[vector<16xi32>, vector<16xi32>, vector<16xi32>], vector<16xf32>,
      %add3A_1127 = arith.addf %gather3A_1125, %get3A_991 : vector<16xf32>
      %add3A_1128 = arith.addf %gather3A_1126, %get3A_993 : vector<16xf32>
      %mul3A_1129 = arith.mulf %add3A_1127, %add3A_1128 : vector<16xf32>
      %add3A_1130 = arith.addf %mul3A_1129, %get3A_9 : vector<16xf32>
      %swap3A_1131 = arith.constant 11 : i32
      %swap3A_1132 = arith.index_cast %swap3A_1131 : i32 to index
      %swap3A_1133 = arith.index_cast %mul3A_17 : i32 to index
      %swap3A_1134 = tpu.vector_load %arg17[%swap3A_1132, %swap3A_1133] {strides = array<i32>} : memref<16x512xf32, #tpu.memory_space<vmem>>, vector<16xf32>,
      tpu.vector_store %arg17[%swap3A_1132, %swap3A_1133], %add3A_1130 {strides = array<i32>} : memref<16x512xf32, #tpu.memory_space<vmem>>, vector<16xf32>,
      %broadcast_in_dim3A_1135 = arith.constant 12 : i32
      %broadcast_in_dim3A_1136 = vector.broadcast %broadcast_in_dim3A_1135 : i32 to vector<16xi32>
      %gather3A_1137 = tpu.vector_load_idx %arg12[%iota3A, %broadcast_in_dim3A_1136, %and3A_28] : memref<16x16x128xf32, #tpu.memory_space<vmem>>[vector<16xi32>, vector<16xi32>, vector<16xi32>], vector<16xf32>,
      %gather3A_1138 = tpu.vector_load_idx %arg13[%iota3A, %broadcast_in_dim3A_1136, %and3A_31] : memref<16x16x128xf32, #tpu.memory_space<vmem>>[vector<16xi32>, vector<16xi32>, vector<16xi32>], vector<16xf32>,
      %add3A_1139 = arith.addf %gather3A_1137, %get3A_991 : vector<16xf32>
      %add3A_1140 = arith.addf %gather3A_1138, %get3A_993 : vector<16xf32>
      %mul3A_1141 = arith.mulf %add3A_1139, %add3A_1140 : vector<16xf32>
      %add3A_1142 = arith.addf %mul3A_1141, %get3A_9 : vector<16xf32>
      %swap3A_1143 = arith.constant 12 : i32
      %swap3A_1144 = arith.index_cast %swap3A_1143 : i32 to index
      %swap3A_1145 = arith.index_cast %mul3A_17 : i32 to index
      %swap3A_1146 = tpu.vector_load %arg17[%swap3A_1144, %swap3A_1145] {strides = array<i32>} : memref<16x512xf32, #tpu.memory_space<vmem>>, vector<16xf32>,
      tpu.vector_store %arg17[%swap3A_1144, %swap3A_1145], %add3A_1142 {strides = array<i32>} : memref<16x512xf32, #tpu.memory_space<vmem>>, vector<16xf32>,
      %broadcast_in_dim3A_1147 = arith.constant 13 : i32
      %broadcast_in_dim3A_1148 = vector.broadcast %broadcast_in_dim3A_1147 : i32 to vector<16xi32>
      %gather3A_1149 = tpu.vector_load_idx %arg12[%iota3A, %broadcast_in_dim3A_1148, %and3A_28] : memref<16x16x128xf32, #tpu.memory_space<vmem>>[vector<16xi32>, vector<16xi32>, vector<16xi32>], vector<16xf32>,
      %gather3A_1150 = tpu.vector_load_idx %arg13[%iota3A, %broadcast_in_dim3A_1148, %and3A_31] : memref<16x16x128xf32, #tpu.memory_space<vmem>>[vector<16xi32>, vector<16xi32>, vector<16xi32>], vector<16xf32>,
      %add3A_1151 = arith.addf %gather3A_1149, %get3A_991 : vector<16xf32>
      %add3A_1152 = arith.addf %gather3A_1150, %get3A_993 : vector<16xf32>
      %mul3A_1153 = arith.mulf %add3A_1151, %add3A_1152 : vector<16xf32>
      %add3A_1154 = arith.addf %mul3A_1153, %get3A_9 : vector<16xf32>
      %swap3A_1155 = arith.constant 13 : i32
      %swap3A_1156 = arith.index_cast %swap3A_1155 : i32 to index
      %swap3A_1157 = arith.index_cast %mul3A_17 : i32 to index
      %swap3A_1158 = tpu.vector_load %arg17[%swap3A_1156, %swap3A_1157] {strides = array<i32>} : memref<16x512xf32, #tpu.memory_space<vmem>>, vector<16xf32>,
      tpu.vector_store %arg17[%swap3A_1156, %swap3A_1157], %add3A_1154 {strides = array<i32>} : memref<16x512xf32, #tpu.memory_space<vmem>>, vector<16xf32>,
      %broadcast_in_dim3A_1159 = arith.constant 14 : i32
      %broadcast_in_dim3A_1160 = vector.broadcast %broadcast_in_dim3A_1159 : i32 to vector<16xi32>
      %gather3A_1161 = tpu.vector_load_idx %arg12[%iota3A, %broadcast_in_dim3A_1160, %and3A_28] : memref<16x16x128xf32, #tpu.memory_space<vmem>>[vector<16xi32>, vector<16xi32>, vector<16xi32>], vector<16xf32>,
      %gather3A_1162 = tpu.vector_load_idx %arg13[%iota3A, %broadcast_in_dim3A_1160, %and3A_31] : memref<16x16x128xf32, #tpu.memory_space<vmem>>[vector<16xi32>, vector<16xi32>, vector<16xi32>], vector<16xf32>,
      %add3A_1163 = arith.addf %gather3A_1161, %get3A_991 : vector<16xf32>
      %add3A_1164 = arith.addf %gather3A_1162, %get3A_993 : vector<16xf32>
      %mul3A_1165 = arith.mulf %add3A_1163, %add3A_1164 : vector<16xf32>
      %add3A_1166 = arith.addf %mul3A_1165, %get3A_9 : vector<16xf32>
      %swap3A_1167 = arith.constant 14 : i32
      %swap3A_1168 = arith.index_cast %swap3A_1167 : i32 to index
      %swap3A_1169 = arith.index_cast %mul3A_17 : i32 to index
      %swap3A_1170 = tpu.vector_load %arg17[%swap3A_1168, %swap3A_1169] {strides = array<i32>} : memref<16x512xf32, #tpu.memory_space<vmem>>, vector<16xf32>,
      tpu.vector_store %arg17[%swap3A_1168, %swap3A_1169], %add3A_1166 {strides = array<i32>} : memref<16x512xf32, #tpu.memory_space<vmem>>, vector<16xf32>,
      %broadcast_in_dim3A_1171 = arith.constant 15 : i32
      %broadcast_in_dim3A_1172 = vector.broadcast %broadcast_in_dim3A_1171 : i32 to vector<16xi32>
      %gather3A_1173 = tpu.vector_load_idx %arg12[%iota3A, %broadcast_in_dim3A_1172, %and3A_28] : memref<16x16x128xf32, #tpu.memory_space<vmem>>[vector<16xi32>, vector<16xi32>, vector<16xi32>], vector<16xf32>,
      %gather3A_1174 = tpu.vector_load_idx %arg13[%iota3A, %broadcast_in_dim3A_1172, %and3A_31] : memref<16x16x128xf32, #tpu.memory_space<vmem>>[vector<16xi32>, vector<16xi32>, vector<16xi32>], vector<16xf32>,
      %add3A_1175 = arith.addf %gather3A_1173, %get3A_991 : vector<16xf32>
      %add3A_1176 = arith.addf %gather3A_1174, %get3A_993 : vector<16xf32>
      %mul3A_1177 = arith.mulf %add3A_1175, %add3A_1176 : vector<16xf32>
      %add3A_1178 = arith.addf %mul3A_1177, %get3A_9 : vector<16xf32>
      %swap3A_1179 = arith.constant 15 : i32
      %swap3A_1180 = arith.index_cast %swap3A_1179 : i32 to index
      %swap3A_1181 = arith.index_cast %mul3A_17 : i32 to index
      %swap3A_1182 = tpu.vector_load %arg17[%swap3A_1180, %swap3A_1181] {strides = array<i32>} : memref<16x512xf32, #tpu.memory_space<vmem>>, vector<16xf32>,
      tpu.vector_store %arg17[%swap3A_1180, %swap3A_1181], %add3A_1178 {strides = array<i32>} : memref<16x512xf32, #tpu.memory_space<vmem>>, vector<16xf32>,
    }
    %scan3A_14 = arith.constant 32 : i32
    "tpu.region"() ({
      %run_scoped3A = tpu.sem_alloc : memref<!tpu.dma_semaphore, #tpu.memory_space<semaphore_mem>>
      %dma_start3A_15 = arith.constant 0 : i32
      %dma_start3A_16 = tpu.memref_slice %arg9[%dma_start3A_15, %mul3A_2] : memref<16x16384xf32, #tpu.memory_space<hbm>> -> memref<16x512xf32, #tpu.memory_space<hbm>>
      %dma_start3A_17 = arith.constant 0 : i32
      %dma_start3A_18 = tpu.memref_slice %arg9[%dma_start3A_17, %mul3A_2] : memref<16x16384xf32, #tpu.memory_space<hbm>> -> memref<16x512xf32, #tpu.memory_space<hbm>>
      tpu.enqueue_dma source(%arg17 : memref<16x512xf32, #tpu.memory_space<vmem>>) target(%dma_start3A_18 : memref<16x512xf32, #tpu.memory_space<hbm>>) target_semaphore(%run_scoped3A : memref<!tpu.dma_semaphore, #tpu.memory_space<semaphore_mem>>)
      %dma_wait3A_19 = arith.constant 0 : i32
      %dma_wait3A_20 = tpu.memref_slice %arg9[%dma_wait3A_19, %mul3A_2] : memref<16x16384xf32, #tpu.memory_space<hbm>> -> memref<16x512xf32, #tpu.memory_space<hbm>>
      %dma_wait3A_21 = arith.constant 0 : i32
      %dma_wait3A_22 = tpu.memref_slice %arg9[%dma_wait3A_21, %mul3A_2] : memref<16x16384xf32, #tpu.memory_space<hbm>> -> memref<16x512xf32, #tpu.memory_space<hbm>>
      tpu.wait_dma2 semaphore(%run_scoped3A : memref<!tpu.dma_semaphore, #tpu.memory_space<semaphore_mem>>) src(%arg17 : memref<16x512xf32, #tpu.memory_space<vmem>>) dst(%dma_wait3A_22 : memref<16x512xf32, #tpu.memory_space<hbm>>)
      tpu.yield
    }) : () -> ()
    return
  }
}

</mosaic_0001>

<sc_bundles>
// kernel: kernel.3.cloned.1.call-start
scs
__scs_entry_jumppad:
0x0: {  	(pc) =	sbr.rel $0x88, $3  }
0x1: {  	(tag) =	ssettag $0x0;
	lr =	simm.s32 $0x1  }
0x2: {  	[smem:$0x3F9A] =	sst lr;
	_ =	strace $0xD0000000  }
0x3: {  	_ = 	snop  }
0x4: {  	_ = 	snop  }
0x5: {  	_ = 	snop  }
0x6: {  	_ = 	snop  }
0x7: {  	_ = 	snop  }
__scs_overlays_trampoline_lowered:
0x8: {  	[smem:$0x3FA9] =	sst s0  }
0x9: {  	[smem:$0x3FAA] =	sst s1  }
0xa: {  	[smem:$0x3FAB] =	sst s2  }
0xb: {  	[smem:$0x3FAC] =	sst s3  }
0xc: {  	[smem:$0x3FAD] =	sst s4  }
0xd: {  	[smem:$0x3FAE] =	sst s5  }
0xe: {  	[smem:$0x3FAF] =	sst s6  }
0xf: {  	[smem:$0x3FB0] =	sst s7  }
0x10: {  	[smem:$0x3FB1] =	sst s8  }
0x11: {  	[smem:$0x3FB2] =	sst s9;
	s0 =	simm.s32 @!p0 $0x0  }
0x12: {  	s1 =	sld [smem:$0x3F98];
	s0 =	simm.s32 @p0 $0x1  }
0x13: {  	[smem:$0x3FB3] =	sst s0;
	s0 =	simm.s32 @!p1 $0x0  }
0x14: {  	s2 =	sld [smem:$0x3F97];
	s0 =	simm.s32 @p1 $0x1  }
0x15: {  	[smem:$0x3FB4] =	sst s0;
	s0 =	simm.s32 @!p2 $0x0  }
0x16: {  	s3 =	sld [smem:$0x3FDB];
	s0 =	simm.s32 @p2 $0x1  }
0x17: {  	s4 =	simm.s32 $0x1BF5;
	[smem:$0x3FB6] =	sst s0  }
0x18: {  	s0 =	sld [smem:$0x3F99];
	_ =	swait.ge [sflag:s4], $0x0  }
0x19: {  	s7 =	sld [smem:$0x3F9A]  }
0x1a: {  	s8 =	sadd.s32 $0xFFFFE003, lr  }
0x1b: {  	s9 =	sadd.s32 $0xFFFFFEF7, lr;
	s5 =	simm.s32 $0xFFFFFFFF;
	p2 =	slt.u32 s8, $0xFFFFF086  }
0x1c: {  	p1 =	slt.u32 s9, $0xF7A;
	s5 =	simm.s32 @!p2 $0x0  }
0x1d: {  	s5 =	simm.s32 @p1 $0x1;
	p0 =	seq.s32 s7, s2  }
0x1e: {  	s7 =	smul.u32 @!p0 $0xF7A, s2;
	p2 =	seq.s32 @!p0 s5, $0x0  }
0x1f: {  	s9 =	smul.u32 $0xF7A, s1;
	s8 =	simm.s32 @!p0 $0x1BF5;
	p2 =	por !p2, p0  }
0x20: {  	[sflag:s8] =	ssyncset.s32 @!p0 $0xFFFFF086;
	s6 =	sadd.s32 @!p0 s3, s7;
	s7 =	simm.s32 @!p0 $0x108  }
0x21: {  	s3 =	sadd.s32 s3, s9;
	s6 =	sadd.s32 @!p0 $0x88, s6;
	s7 =	simm.s32 @p2 $0x1082  }
0x22: {  	[simem:s7], [sflag:s8] =	dma.local @!p0 [hbm:s6], $0xF7A  }
0x23: {  	s9 =	sor.u32 $0xD0000000, s2;
	s6 =	simm.s32 $0x108;
	_ =	swait.ge @!p0 [sflag:s8], $0x0  }
0x24: {  	s3 =	sadd.s32 $0x88, s3;
	s6 =	simm.s32 @!p1 $0x1082;
	[sflag:s4] =	ssyncset.s32 $0xFFFFF086  }
0x25: {  	[simem:s6], [sflag:s4] =	dma.local [hbm:s3], $0xF7A  }
0x26: {  	[smem:$0x3F9A] =	sst s1;
	(tag) =	ssettag s2;
	_ =	strace s9  }
0x27: {  	s1 =	sld [smem:$0x3FAA]  }
0x28: {  	s2 =	sld [smem:$0x3FAB]  }
0x29: {  	s4 =	sld [smem:$0x3FAD]  }
0x2a: {  	p0 =	seq.s32 s5, $0x0;
	s5 =	sld [smem:$0x3FAE]  }
0x2b: {  	s6 =	sld [smem:$0x3FAF]  }
0x2c: {  	s7 =	sld [smem:$0x3FB0]  }
0x2d: {  	s3 =	simm.s32 $0x108;
	s8 =	sld [smem:$0x3FB1]  }
0x2e: {  	s3 =	simm.s32 @!p0 $0x1082;
	s9 =	sld [smem:$0x3FB2]  }
0x2f: {  	lr =	sadd.s32 s0, s3;
	s0 =	sld [smem:$0x3FA9]  }
0x30: {  	s3 =	sld [smem:$0x3FAC]  }
0x31: {  	[smem:$0x3FB5] =	sst s10  }
0x32: {  	s10 =	sld [smem:$0x3FB3];
	_ =	sdelay $0x3  }
0x33: {  	p0 =	seq.s32 s10, $0x1;
	s10 =	sld [smem:$0x3FB5];
	_ =	sdelay $0x3  }
0x34: {  	[smem:$0x3FB5] =	sst s10  }
0x35: {  	s10 =	sld [smem:$0x3FB4];
	_ =	sdelay $0x3  }
0x36: {  	p1 =	seq.s32 s10, $0x1;
	s10 =	sld [smem:$0x3FB5];
	_ =	sdelay $0x3  }
0x37: {  	[smem:$0x3FB5] =	sst s10  }
0x38: {  	s10 =	sld [smem:$0x3FB6]  }
0x39: {  	_ = 	snop;
	(pc) =	sbr.ind lr, $3  }
0x3a: {  	_ = 	snop  }
0x3b: {  	_ = 	snop  }
0x3c: {  	p2 =	seq.s32 s10, $0x1;
	s10 =	sld [smem:$0x3FB5]  }
0x3d: {  	_ =	shalt  }
0x3e: {  	_ =	shalt  }
0x3f: {  	_ =	shalt  }
0x40: {  	_ =	shalt  }
0x41: {  	_ =	shalt  }
0x42: {  	_ =	shalt  }
0x43: {  	_ =	shalt  }
0x44: {  	_ =	shalt  }
0x45: {  	_ =	shalt  }
0x46: {  	_ =	shalt  }
0x47: {  	_ =	shalt  }
0x48: {  	_ =	shalt  }
0x49: {  	_ =	shalt  }
0x4a: {  	_ =	shalt  }
0x4b: {  	_ =	shalt  }
0x4c: {  	_ =	shalt  }
0x4d: {  	_ =	shalt  }
0x4e: {  	_ =	shalt  }
0x4f: {  	_ =	shalt  }
0x50: {  	_ =	shalt  }
0x51: {  	_ =	shalt  }
0x52: {  	_ =	shalt  }
0x53: {  	_ =	shalt  }
0x54: {  	_ =	shalt  }
0x55: {  	_ =	shalt  }
0x56: {  	_ =	shalt  }
0x57: {  	_ =	shalt  }
0x58: {  	_ =	shalt  }
0x59: {  	_ =	shalt  }
0x5a: {  	_ =	shalt  }
0x5b: {  	_ =	shalt  }
0x5c: {  	_ =	shalt  }
0x5d: {  	_ =	shalt  }
0x5e: {  	_ =	shalt  }
0x5f: {  	_ =	shalt  }
0x60: {  	_ =	shalt  }
0x61: {  	_ =	shalt  }
0x62: {  	_ =	shalt  }
0x63: {  	_ =	shalt  }
0x64: {  	_ =	shalt  }
0x65: {  	_ =	shalt  }
0x66: {  	_ =	shalt  }
0x67: {  	_ =	shalt  }
0x68: {  	_ =	shalt  }
0x69: {  	_ =	shalt  }
0x6a: {  	_ =	shalt  }
0x6b: {  	_ =	shalt  }
0x6c: {  	_ =	shalt  }
0x6d: {  	_ =	shalt  }
0x6e: {  	_ =	shalt  }
0x6f: {  	_ =	shalt  }
0x70: {  	_ =	shalt  }
0x71: {  	_ =	shalt  }
0x72: {  	_ =	shalt  }
0x73: {  	_ =	shalt  }
0x74: {  	_ =	shalt  }
0x75: {  	_ =	shalt  }
0x76: {  	_ =	shalt  }
0x77: {  	_ =	shalt  }
0x78: {  	_ =	shalt  }
0x79: {  	_ =	shalt  }
0x7a: {  	_ =	shalt  }
0x7b: {  	_ =	shalt  }
0x7c: {  	_ =	shalt  }
0x7d: {  	_ =	shalt  }
0x7e: {  	_ =	shalt  }
0x7f: {  	_ =	shalt  }
0x80: {  	_ =	shalt  }
0x81: {  	_ =	shalt  }
0x82: {  	_ =	shalt  }
0x83: {  	_ =	shalt  }
0x84: {  	_ =	shalt  }
0x85: {  	_ =	shalt  }
0x86: {  	_ =	shalt  }
0x87: {  	_ =	shalt  }
.Lfunc_end0:
.L_simem_size_0:
called_computation_lowered:
.L_overlay_start_0:
0x88: {  	s2 =	sld [smem:$0x3FD9]  }
0x89: {  	s3 =	sld [smem:$0x3FFE];
	_ =	sdelay $0x1  }
0x8a: {  	s1 =	srdreg.scid  }
0x8b: {  	s0 =	sand.u32 $0x1, s1  }
0x8c: {  	s17 =	sshll.u32 s0, $0xA;
	s2 =	sadd.s32 s3, s2  }
0x8d: {  	s2 =	sadd.s32 s2, s17  }
0x8e: {  	[smem:$0x3FC1] =	sst s2  }
0x8f: {  	_ = 	snop  }
0x90: {  	s2 =	sld [smem:$0x3FC9]  }
0x91: {  	s18 =	sld [smem:$0x3FC8]  }
0x92: {  	s4 =	sld [smem:$0x3FC7]  }
0x93: {  	s5 =	sld [smem:$0x3FC6]  }
0x94: {  	s6 =	sld [smem:$0x3FC5]  }
0x95: {  	s7 =	sld [smem:$0x3FC4]  }
0x96: {  	s8 =	sld [smem:$0x3FD0];
	(tm) =	ssettm $0x1  }
0x97: {  	s9 =	sld [smem:$0x3FFB];
	_ =	sdelay $0x3  }
0x98: {  	_ =	strace s9  }
0x99: {  	s9 =	sld [smem:$0x3FFC];
	_ =	sdelay $0x3  }
0x9a: {  	_ =	strace s9  }
0x9b: {  	s9 =	sld [smem:$0x3FFD];
	_ =	sdelay $0x3  }
0x9c: {  	_ =	strace s9  }
0x9d: {  	_ =	strace $0x8FFFFFFF  }
0x9e: {  	s19 =	sld [smem:$0x3FDB];
	_ =	sdelay $0x1  }
0x9f: {  	s10 =	simm.s32 $_scs_section_size  }
0xa0: {  	s11 =	simm.s32 $_size__tile_overlayer_lowered;
	s12 =	simm.s32 $_tile_overlayer_lowered  }
0xa1: {  	s22 =	simm.s32 $0x1BFF;
	s21 =	sshll.u32 s12, $0x1;
	s9 =	sadd.s32 s10, s19  }
0xa2: {  	s13 =	simm.s32 $0x0;
	s20 =	sshll.u32 s11, $0x1;
	s11 =	sadd.s32 s21, s9  }
0xa3: {  	[timem:s13], [sflag:s22] =	dma.local [hbm:s11], s20  }
0xa4: {  	_ =	swait.ge [sflag:s22], s20  }
0xa5: {  	s10 =	ssub.s32 $0x0, s20;
	[sflag:s22] =	ssyncset.done $0x0  }
0xa6: {  	[sflag:s22] =	ssyncadd.s32 s10;
	_ =	sdelay $0x1  }
0xa7: {  	s23 =	simm.s32 $0x1B8B  }
0xa8: {  	_ =	swait.ge [sflag:s23], $0x1  }
0xa9: {  	[sflag:s23] =	ssyncset.done $0x0  }
0xaa: {  	s25 =	simm.s32 $0x1B8E;
	s24 =	sld [smem:$0x3FFE];
	[sflag:s23] =	ssyncadd.s32 $0xFFFFFFFF  }
0xab: {  	s26 =	simm.s32 $execute0_lowered;
	[smem:$0x3FD2] =	sst s25  }
0xac: {  	s11 =	sshll.u32 s26, $0x1;
	_ =	strace $0x80000046;
	[dreg:$0x1] =	wrdreg $0xFFFFFFFF  }
0xad: {  	s28 =	simm.s32 $_size_execute0_lowered;
	s9 =	sadd.s32 s9, s11;
	[dreg:$0x0] =	wrdreg $0x0  }
0xae: {  	s11 =	sshll.u32 s28, $0x1;
	[dreg:$0x2] =	wrdreg s9  }
0xaf: {  	[dreg:$0x3] =	wrdreg s11  }
0xb0: {  	[dreg:$0x4] =	wrdreg $0xC0  }
0xb1: {  	_ =	task [dreg:s13], $0x5FFFF  }
0xb2: {  	[dreg:$0x1] =	wrdreg $0xFFFFFFFF  }
0xb3: {  	[dreg:$0x0] =	wrdreg $0x60  }
0xb4: {  	[dreg:$0x2] =	wrdreg s2  }
0xb5: {  	[dreg:$0x3] =	wrdreg s18  }
0xb6: {  	[dreg:$0x4] =	wrdreg s4  }
0xb7: {  	[dreg:$0x5] =	wrdreg s5  }
0xb8: {  	[dreg:$0x6] =	wrdreg s6  }
0xb9: {  	[dreg:$0x7] =	wrdreg s7  }
0xba: {  	[dreg:$0x8] =	wrdreg s24  }
0xbb: {  	[dreg:$0x9] =	wrdreg s8  }
0xbc: {  	[dreg:$0xa] =	wrdreg $0x9  }
0xbd: {  	_ =	task.clear_ibuf [dreg:s13], $0xBFFFF;
	_ =	strace $0x90000046  }
0xbe: {  	s29 =	simm.s32 $0x9;
	_ =	strace $0x80000048  }
0xbf: {  	_ =	swait.ge [sflag:s29], $0x1  }
0xc0: {  	[sflag:s29] =	ssyncadd.s32 $0xFFFFFFFF  }
0xc1: {  	_ =	strace $0x90000048  }
0xc2: {  	_ =	sfence  }
0xc3: {  	s30 =	sld [smem:$0x0];
	_ =	sdelay $0x2  }
0xc4: {  	s31 =	sshll.u32 s1, $0xD;
	s1 =	sshrl.u32 s1, $0x2  }
0xc5: {  	s3 =	sand.u32 $0x4000, s31;
	s1 =	sadd.s32 s1, s30  }
0xc6: {  	s0 =	sor.u32 s3, s0;
	s1 =	sshll.u32 s1, $0x11  }
0xc7: {  	s0 =	sor.u32 s1, s0  }
0xc8: {  	s0 =	sadd.s32 $0x8F2B, s0  }
0xc9: {  	[sflag:s0] =	ssyncadd.remote.s32 $0x1  }
0xca: {  	_ =	sfence.sel $0xFFFF  }
0xcb: {  	[dreg:$0x0] =	wrdreg $0xFFFFFFFF;
	(pc) =	sbr.abs _section_cstart, $3  }
0xcc: {  	[dreg:$0x1] =	wrdreg $0xFFFFFFFF  }
0xcd: {  	_ =	task.clear_ibuf [dreg:s13], $0x2FFFF;
	_ =	strace $0x9FFFFFFF  }
0xce: {  	(tm) =	ssettm $0x7FFFFFFF  }
0xcf: {  	_ =	shalt  }
tec
execute0_lowered:
.L_overlay_start_1:
0x0: {  	(tag) =	ssettag $0x1  }
0x1: {  	s8 =	rddreg [dreg:$0x0]  }
0x2: {  	s9 =	rddreg [dreg:$0x1]  }
0x3: {  	s1 =	rddreg [dreg:$0x2]  }
0x4: {  	s2 =	rddreg [dreg:$0x3]  }
0x5: {  	s3 =	rddreg [dreg:$0x4]  }
0x6: {  	s4 =	rddreg [dreg:$0x5]  }
0x7: {  	s6 =	rddreg [dreg:$0x6]  }
0x8: {  	s10 =	rddreg [dreg:$0x7]  }
0x9: {  	s0 =	rddreg [dreg:$0x8];
	s5 =	simm.s32 $0x0  }
0xa: {  	s7 =	simm.s32 $0xC00;
	[smem:$0x7FF] =	sst s5  }
0xb: {  	s26 =	simm.s32 $0x8C00;
	_ =	strace $0x80000047;
	[dreg:$0x9] =	wrdreg s7  }
0xc: {  	s28 =	simm.s32 $0x1400;
	[dreg:$0xa] =	wrdreg s26  }
0xd: {  	s29 =	simm.s32 $0x9400;
	[dreg:$0xb] =	wrdreg s28  }
0xe: {  	s30 =	simm.s32 $0x1C00;
	[dreg:$0xc] =	wrdreg s29  }
0xf: {  	s31 =	simm.s32 $0x9C00;
	[dreg:$0xd] =	wrdreg s30  }
0x10: {  	s11 =	simm.s32 $0x2400;
	[dreg:$0xe] =	wrdreg s31  }
0x11: {  	s12 =	simm.s32 $0xA400;
	[dreg:$0xf] =	wrdreg s11  }
0x12: {  	s13 =	simm.s32 $0x2C00;
	[dreg:$0x10] =	wrdreg s12  }
0x13: {  	s14 =	simm.s32 $0xAC00;
	[dreg:$0x11] =	wrdreg s13  }
0x14: {  	s15 =	simm.s32 $0x3400;
	[dreg:$0x12] =	wrdreg s14  }
0x15: {  	s16 =	simm.s32 $0x3C00;
	[dreg:$0x13] =	wrdreg s15  }
0x16: {  	s17 =	simm.s32 $0xBC00;
	[dreg:$0x15] =	wrdreg s16  }
0x17: {  	s18 =	simm.s32 $0x4400;
	[dreg:$0x16] =	wrdreg s17  }
0x18: {  	s19 =	simm.s32 $0xC400;
	[dreg:$0x17] =	wrdreg s18  }
0x19: {  	s20 =	simm.s32 $0x4C00;
	[dreg:$0x18] =	wrdreg s19  }
0x1a: {  	s22 =	simm.s32 $0xCC00;
	[dreg:$0x19] =	wrdreg s20  }
0x1b: {  	s23 =	simm.s32 $0x5400;
	[dreg:$0x1a] =	wrdreg s22  }
0x1c: {  	s24 =	simm.s32 $0xD400;
	[dreg:$0x1b] =	wrdreg s23  }
0x1d: {  	s25 =	simm.s32 $0x5C00;
	s6 =	sadd.s32 $0x400, s6;
	[dreg:$0x1c] =	wrdreg s24  }
0x1e: {  	s11 =	srdreg.scid;
	s12 =	simm.s32 $0xB400;
	[dreg:$0x1d] =	wrdreg s25  }
0x1f: {  	s7 =	stileid.u32;
	s26 =	simm.s32 $0xDC00;
	[dreg:$0x14] =	wrdreg s12  }
0x20: {  	s28 =	simm.s32 $0x6400;
	s29 =	simm.s32 $0xE400;
	[dreg:$0x1e] =	wrdreg s26  }
0x21: {  	s30 =	simm.s32 $0x6C00;
	s31 =	simm.s32 $0xEC00;
	[dreg:$0x1f] =	wrdreg s28  }
0x22: {  	s15 =	simm.s32 $0x7400;
	s16 =	simm.s32 $0xF400;
	[smem:$0x7F7] =	sst s29  }
0x23: {  	s17 =	simm.s32 $0x7C00;
	s18 =	simm.s32 $0xFC00;
	[smem:$0x7F8] =	sst s30  }
0x24: {  	s19 =	simm.s32 $0x20000;
	s20 =	simm.s32 $0x10880;
	[smem:$0x7F9] =	sst s31  }
0x25: {  	v0 =	vlaneseq.u32;
	s11 =	sand.u32 $0x1, s11;
	s21 =	sshll.u32 s7, $0xA;
	[smem:$0x7FA] =	sst s15  }
0x26: {  	v0 =	vmul.u32 $0x800, v0;
	s12 =	simm.s32 $0x2;
	s15 =	simm.s32 $0x7A1400;
	[smem:$0x7FB] =	sst s16  }
0x27: {  	s16 =	simm.s32 $0x400;
	[smem:$0x7FC] =	sst s17;
	s17 =	simm.s32 $0x8400  }
0x28: {  	v1 =	vor.u32 $0x80, v0;
	v2 =	vor.u32 $0x100, v0;
	v3 =	vor.u32 $0x180, v0;
	[smem:$0x7FD] =	sst s18;
	s13 =	ssub.s32 $0x2, s11;
	s11 =	sshll.u32 s11, $0x9  }
0x29: {  	v4 =	vor.u32 $0x200, v0;
	v5 =	vor.u32 $0x280, v0;
	v6 =	vor.u32 $0x300, v0;
	s18 =	simm.s32 $0x1000;
	s14 =	sshrl.u32 s13, $0x1;
	s11 =	sor.u32 s11, s21  }
0x2a: {  	v7 =	vor.u32 $0x380, v0;
	v8 =	vor.u32 $0x400, v0;
	v9 =	vor.u32 $0x480, v0;
	s21 =	simm.s32 $0x0;
	s13 =	ssub.s32 s13, s14;
	s14 =	sshrl.u32 s11, $0x3  }
0x2b: {  	v10 =	vor.u32 $0x500, v0;
	v11 =	vor.u32 $0x580, v0;
	v12 =	vor.u32 $0x600, v0;
	s10 =	sadd.s32 s10, s11;
	s8 =	sadd.s32 s8, s14;
	s9 =	sadd.s32 s9, s14  }
0x2c: {  	v13 =	vor.u32 $0x680, v0;
	v14 =	vor.u32 $0x700, v0;
	v15 =	vor.u32 $0x780, v0;
	s11 =	smax.u32 s13, $0x1;
	s13 =	simm.s32 $0x10800;
	s14 =	simm.s32 $0x1  }
.LBB2_1:
0x2d: {  	[tilespmem:s5], [sflag:$0x2] =	stream.linear.gather [hbm4b:s8+s5], $0x200, $0x38;
	[tilespmem:$0x12880] =	vst v63  }
0x2e: {  	_ =	swait.ge [sflag:s12], $0x200  }
0x2f: {  	[sflag:s12] =	ssyncset.done $0x0  }
0x30: {  	s22 =	simm.s32 $0x200;
	[sflag:s12] =	ssyncadd.s32 $0xFFFFFE00  }
0x31: {  	[tilespmem:s22], [sflag:$0x2] =	stream.linear.gather [hbm4b:s9+s5], $0x200, $0x38;
	[tilespmem:$0x12880] =	vst v63  }
0x32: {  	_ =	swait.ge [sflag:s12], $0x200  }
0x33: {  	[sflag:s12] =	ssyncset.done $0x0  }
0x34: {  	[sflag:s12] =	ssyncadd.s32 $0xFFFFFE00  }
0x35: {  	[tilespmem:s13], [sflag:$0x2] =	stream.linear.gather [hbm4b:s6+s5], $0x80, $0x38;
	[tilespmem:$0x12880] =	vst v63  }
0x36: {  	_ =	swait.ge [sflag:s12], $0x80  }
0x37: {  	[sflag:s12] =	ssyncset.done $0x0  }
0x38: {  	s23 =	simm.s32 $0x10400;
	[sflag:s12] =	ssyncadd.s32 $0xFFFFFF80  }
0x39: {  	[tilespmem:s23], [sflag:$0x1] =	stream.indirect.gather [hbm4b:s2+s22], $0x1, s5, s22, $0xb8;
	[tilespmem:$0x12880] =	vst v63  }
0x3a: {  	s24 =	simm.s32 $0x10600  }
0x3b: {  	[tilespmem:s24], [sflag:$0x1] =	stream.indirect.gather [hbm4b:s4+s22], $0x1, s22, s22, $0xb8;
	[tilespmem:$0x12880] =	vst v63  }
0x3c: {  	_ =	swait.ge [sflag:s14], $0x200  }
0x3d: {  	[sflag:s14] =	ssyncset.done $0x0  }
0x3e: {  	[sflag:s14] =	ssyncadd.s32 $0xFFFFFE00  }
0x3f: {  	_ =	swait.ge [sflag:s14], $0x200  }
0x40: {  	[sflag:s14] =	ssyncset.done $0x0  }
0x41: {  	[sflag:s14] =	ssyncadd.s32 $0xFFFFFE00  }
0x42: {  	s25 =	simm.s32 $0x0;
	s26 =	simm.s32 $0x0;
	s28 =	simm.s32 $0x0;
	v16 =	vld [tilespmem:$0x10800]  }
.LBB2_2:
0x43: {  	v18 =	vld [tilespmem:s25+$0x0];
	_ =	sdelay $0x2  }
0x44: {  	v17 =	vld [tilespmem:s22+$0x0];
	_ =	sdelay $0x1  }
0x45: {  	v19 =	vshrl.u32 v18, $0x7  }
0x46: {  	v20 =	vshll.u32 v19, $0x7  }
0x47: {  	(v2sf) =	vpush v20, $0x0  }
0x48: {  	v19 =	vshrl.u32 v17, $0x7  }
0x49: {  	v19 =	vshll.u32 v19, $0x7  }
0x4a: {  	(v2sf) =	vpush v19, $0x0;
	_ =	sdelay $0x2  }
0x4b: {  	(v2sf) =	vpush v20, $0x1;
	_ =	sdelay $0x4  }
0x4c: {  	(v2sf) =	vpush v19, $0x1;
	_ =	sdelay $0x3  }
0x4d: {  	s29 =	spop (v2sf);
	(v2sf) =	vpush v20, $0x2;
	_ =	sdelay $0x1  }
0x4e: {  	s29 =	sand.u32 $0x1FFFFF80, s29  }
0x4f: {  	s30 =	spop (v2sf);
	s29 =	sadd.s32 s1, s29  }
0x50: {  	(v2sf) =	vpush v19, $0x2;
	[tilespmem:s16], [sflag:$0x1] =	stream.strided.gather [hbm4b:s29+s16], $0x800, s15, s16, $0x38;
	[tilespmem:$0x12880] =	vst v63  }
0x51: {  	s29 =	sand.u32 $0x1FFFFF80, s30  }
0x52: {  	s31 =	spop (v2sf);
	s29 =	sadd.s32 s3, s29  }
0x53: {  	[tilespmem:s17], [sflag:$0x1] =	stream.strided.gather [hbm4b:s29+s16], $0x800, s15, s16, $0x38;
	[tilespmem:$0x12880] =	vst v63  }
0x54: {  	(v2sf) =	vpush v20, $0x3;
	s29 =	sand.u32 $0x1FFFFF80, s31  }
0x55: {  	s30 =	rddreg [dreg:$0x9];
	s29 =	sadd.s32 s1, s29  }
0x56: {  	[tilespmem:s30], [sflag:$0x1] =	stream.strided.gather [hbm4b:s29+s16], $0x800, s15, s16, $0x38;
	[tilespmem:$0x12880] =	vst v63  }
0x57: {  	s29 =	spop (v2sf)  }
0x58: {  	(v2sf) =	vpush v19, $0x3;
	s29 =	sand.u32 $0x1FFFFF80, s29  }
0x59: {  	s31 =	rddreg [dreg:$0xa];
	s29 =	sadd.s32 s3, s29  }
0x5a: {  	[tilespmem:s31], [sflag:$0x1] =	stream.strided.gather [hbm4b:s29+s16], $0x800, s15, s16, $0x38;
	[tilespmem:$0x12880] =	vst v63  }
0x5b: {  	s29 =	spop (v2sf)  }
0x5c: {  	(v2sf) =	vpush v20, $0x4;
	s29 =	sand.u32 $0x1FFFFF80, s29  }
0x5d: {  	s31 =	rddreg [dreg:$0xb];
	s29 =	sadd.s32 s1, s29  }
0x5e: {  	[tilespmem:s31], [sflag:$0x1] =	stream.strided.gather [hbm4b:s29+s16], $0x800, s15, s16, $0x38;
	[tilespmem:$0x12880] =	vst v63  }
0x5f: {  	s29 =	spop (v2sf)  }
0x60: {  	(v2sf) =	vpush v19, $0x4;
	s29 =	sand.u32 $0x1FFFFF80, s29  }
0x61: {  	s31 =	rddreg [dreg:$0xc];
	s29 =	sadd.s32 s3, s29  }
0x62: {  	[tilespmem:s31], [sflag:$0x1] =	stream.strided.gather [hbm4b:s29+s16], $0x800, s15, s16, $0x38;
	[tilespmem:$0x12880] =	vst v63  }
0x63: {  	s29 =	spop (v2sf)  }
0x64: {  	(v2sf) =	vpush v20, $0x5;
	s29 =	sand.u32 $0x1FFFFF80, s29  }
0x65: {  	s31 =	rddreg [dreg:$0xd];
	s29 =	sadd.s32 s1, s29  }
0x66: {  	[tilespmem:s31], [sflag:$0x1] =	stream.strided.gather [hbm4b:s29+s16], $0x800, s15, s16, $0x38;
	[tilespmem:$0x12880] =	vst v63  }
0x67: {  	s29 =	spop (v2sf)  }
0x68: {  	(v2sf) =	vpush v19, $0x5;
	s29 =	sand.u32 $0x1FFFFF80, s29  }
0x69: {  	s31 =	rddreg [dreg:$0xe];
	s29 =	sadd.s32 s3, s29  }
0x6a: {  	[tilespmem:s31], [sflag:$0x1] =	stream.strided.gather [hbm4b:s29+s16], $0x800, s15, s16, $0x38;
	[tilespmem:$0x12880] =	vst v63  }
0x6b: {  	s29 =	spop (v2sf)  }
0x6c: {  	(v2sf) =	vpush v20, $0x6;
	s29 =	sand.u32 $0x1FFFFF80, s29  }
0x6d: {  	s31 =	rddreg [dreg:$0xf];
	s29 =	sadd.s32 s1, s29  }
0x6e: {  	[tilespmem:s31], [sflag:$0x1] =	stream.strided.gather [hbm4b:s29+s16], $0x800, s15, s16, $0x38;
	[tilespmem:$0x12880] =	vst v63  }
0x6f: {  	s29 =	spop (v2sf)  }
0x70: {  	(v2sf) =	vpush v19, $0x6;
	s29 =	sand.u32 $0x1FFFFF80, s29  }
0x71: {  	s31 =	rddreg [dreg:$0x10];
	s29 =	sadd.s32 s3, s29  }
0x72: {  	[tilespmem:s31], [sflag:$0x1] =	stream.strided.gather [hbm4b:s29+s16], $0x800, s15, s16, $0x38;
	[tilespmem:$0x12880] =	vst v63  }
0x73: {  	s29 =	spop (v2sf)  }
0x74: {  	(v2sf) =	vpush v20, $0x7;
	s29 =	sand.u32 $0x1FFFFF80, s29  }
0x75: {  	s31 =	rddreg [dreg:$0x11];
	s29 =	sadd.s32 s1, s29  }
0x76: {  	[tilespmem:s31], [sflag:$0x1] =	stream.strided.gather [hbm4b:s29+s16], $0x800, s15, s16, $0x38;
	[tilespmem:$0x12880] =	vst v63  }
0x77: {  	s29 =	spop (v2sf)  }
0x78: {  	(v2sf) =	vpush v19, $0x7;
	s29 =	sand.u32 $0x1FFFFF80, s29  }
0x79: {  	s31 =	rddreg [dreg:$0x12];
	s29 =	sadd.s32 s3, s29  }
0x7a: {  	[tilespmem:s31], [sflag:$0x1] =	stream.strided.gather [hbm4b:s29+s16], $0x800, s15, s16, $0x38;
	[tilespmem:$0x12880] =	vst v63  }
0x7b: {  	s29 =	spop (v2sf)  }
0x7c: {  	(v2sf) =	vpush v20, $0x8;
	s29 =	sand.u32 $0x1FFFFF80, s29  }
0x7d: {  	s31 =	rddreg [dreg:$0x13];
	s29 =	sadd.s32 s1, s29  }
0x7e: {  	[tilespmem:s31], [sflag:$0x1] =	stream.strided.gather [hbm4b:s29+s16], $0x800, s15, s16, $0x38;
	[tilespmem:$0x12880] =	vst v63  }
0x7f: {  	s29 =	spop (v2sf)  }
0x80: {  	(v2sf) =	vpush v19, $0x8;
	s29 =	sand.u32 $0x1FFFFF80, s29  }
0x81: {  	s31 =	rddreg [dreg:$0x14];
	s29 =	sadd.s32 s3, s29  }
0x82: {  	[tilespmem:s31], [sflag:$0x1] =	stream.strided.gather [hbm4b:s29+s16], $0x800, s15, s16, $0x38;
	[tilespmem:$0x12880] =	vst v63  }
0x83: {  	s29 =	spop (v2sf)  }
0x84: {  	(v2sf) =	vpush v20, $0x9;
	s29 =	sand.u32 $0x1FFFFF80, s29  }
0x85: {  	s31 =	rddreg [dreg:$0x15];
	s29 =	sadd.s32 s1, s29  }
0x86: {  	[tilespmem:s31], [sflag:$0x1] =	stream.strided.gather [hbm4b:s29+s16], $0x800, s15, s16, $0x38;
	[tilespmem:$0x12880] =	vst v63  }
0x87: {  	s29 =	spop (v2sf)  }
0x88: {  	(v2sf) =	vpush v19, $0x9;
	s29 =	sand.u32 $0x1FFFFF80, s29  }
0x89: {  	s31 =	rddreg [dreg:$0x16];
	s29 =	sadd.s32 s3, s29  }
0x8a: {  	[tilespmem:s31], [sflag:$0x1] =	stream.strided.gather [hbm4b:s29+s16], $0x800, s15, s16, $0x38;
	[tilespmem:$0x12880] =	vst v63  }
0x8b: {  	s29 =	spop (v2sf)  }
0x8c: {  	(v2sf) =	vpush v20, $0xA;
	s29 =	sand.u32 $0x1FFFFF80, s29  }
0x8d: {  	s31 =	rddreg [dreg:$0x17];
	s29 =	sadd.s32 s1, s29  }
0x8e: {  	[tilespmem:s31], [sflag:$0x1] =	stream.strided.gather [hbm4b:s29+s16], $0x800, s15, s16, $0x38;
	[tilespmem:$0x12880] =	vst v63  }
0x8f: {  	s29 =	spop (v2sf)  }
0x90: {  	(v2sf) =	vpush v19, $0xA;
	s29 =	sand.u32 $0x1FFFFF80, s29  }
0x91: {  	s31 =	rddreg [dreg:$0x18];
	s29 =	sadd.s32 s3, s29  }
0x92: {  	[tilespmem:s31], [sflag:$0x1] =	stream.strided.gather [hbm4b:s29+s16], $0x800, s15, s16, $0x38;
	[tilespmem:$0x12880] =	vst v63  }
0x93: {  	s29 =	spop (v2sf)  }
0x94: {  	(v2sf) =	vpush v20, $0xB;
	s29 =	sand.u32 $0x1FFFFF80, s29  }
0x95: {  	s31 =	rddreg [dreg:$0x19];
	s29 =	sadd.s32 s1, s29  }
0x96: {  	[tilespmem:s31], [sflag:$0x1] =	stream.strided.gather [hbm4b:s29+s16], $0x800, s15, s16, $0x38;
	[tilespmem:$0x12880] =	vst v63  }
0x97: {  	s29 =	spop (v2sf)  }
0x98: {  	(v2sf) =	vpush v19, $0xB;
	s29 =	sand.u32 $0x1FFFFF80, s29  }
0x99: {  	s31 =	rddreg [dreg:$0x1a];
	s29 =	sadd.s32 s3, s29  }
0x9a: {  	[tilespmem:s31], [sflag:$0x1] =	stream.strided.gather [hbm4b:s29+s16], $0x800, s15, s16, $0x38;
	[tilespmem:$0x12880] =	vst v63  }
0x9b: {  	s29 =	spop (v2sf)  }
0x9c: {  	(v2sf) =	vpush v20, $0xC;
	s29 =	sand.u32 $0x1FFFFF80, s29  }
0x9d: {  	s31 =	rddreg [dreg:$0x1b];
	s29 =	sadd.s32 s1, s29  }
0x9e: {  	[tilespmem:s31], [sflag:$0x1] =	stream.strided.gather [hbm4b:s29+s16], $0x800, s15, s16, $0x38;
	[tilespmem:$0x12880] =	vst v63  }
0x9f: {  	s29 =	spop (v2sf)  }
0xa0: {  	(v2sf) =	vpush v19, $0xC;
	s29 =	sand.u32 $0x1FFFFF80, s29  }
0xa1: {  	s31 =	rddreg [dreg:$0x1c];
	s29 =	sadd.s32 s3, s29  }
0xa2: {  	[tilespmem:s31], [sflag:$0x1] =	stream.strided.gather [hbm4b:s29+s16], $0x800, s15, s16, $0x38;
	[tilespmem:$0x12880] =	vst v63  }
0xa3: {  	s29 =	spop (v2sf)  }
0xa4: {  	(v2sf) =	vpush v20, $0xD;
	s29 =	sand.u32 $0x1FFFFF80, s29  }
0xa5: {  	s31 =	rddreg [dreg:$0x1d];
	s29 =	sadd.s32 s1, s29  }
0xa6: {  	[tilespmem:s31], [sflag:$0x1] =	stream.strided.gather [hbm4b:s29+s16], $0x800, s15, s16, $0x38;
	[tilespmem:$0x12880] =	vst v63  }
0xa7: {  	s29 =	spop (v2sf)  }
0xa8: {  	(v2sf) =	vpush v19, $0xD;
	s29 =	sand.u32 $0x1FFFFF80, s29  }
0xa9: {  	s31 =	rddreg [dreg:$0x1e];
	s29 =	sadd.s32 s3, s29  }
0xaa: {  	[tilespmem:s31], [sflag:$0x1] =	stream.strided.gather [hbm4b:s29+s16], $0x800, s15, s16, $0x38;
	[tilespmem:$0x12880] =	vst v63  }
0xab: {  	s29 =	spop (v2sf)  }
0xac: {  	(v2sf) =	vpush v20, $0xE;
	s29 =	sand.u32 $0x1FFFFF80, s29  }
0xad: {  	s31 =	rddreg [dreg:$0x1f];
	s29 =	sadd.s32 s1, s29  }
0xae: {  	[tilespmem:s31], [sflag:$0x1] =	stream.strided.gather [hbm4b:s29+s16], $0x800, s15, s16, $0x38;
	[tilespmem:$0x12880] =	vst v63  }
0xaf: {  	s29 =	spop (v2sf);
	s31 =	sld [smem:$0x7F7]  }
0xb0: {  	(v2sf) =	vpush v19, $0xE;
	s29 =	sand.u32 $0x1FFFFF80, s29  }
0xb1: {  	s29 =	sadd.s32 s3, s29  }
0xb2: {  	[tilespmem:s31], [sflag:$0x1] =	stream.strided.gather [hbm4b:s29+s16], $0x800, s15, s16, $0x38;
	[tilespmem:$0x12880] =	vst v63  }
0xb3: {  	s29 =	spop (v2sf);
	s31 =	sld [smem:$0x7F8]  }
0xb4: {  	(v2sf) =	vpush v20, $0xF;
	s29 =	sand.u32 $0x1FFFFF80, s29  }
0xb5: {  	s29 =	sadd.s32 s1, s29  }
0xb6: {  	[tilespmem:s31], [sflag:$0x1] =	stream.strided.gather [hbm4b:s29+s16], $0x800, s15, s16, $0x38;
	[tilespmem:$0x12880] =	vst v63  }
0xb7: {  	s29 =	spop (v2sf);
	s31 =	sld [smem:$0x7F9]  }
0xb8: {  	(v2sf) =	vpush v19, $0xF;
	s29 =	sand.u32 $0x1FFFFF80, s29  }
0xb9: {  	s29 =	sadd.s32 s3, s29  }
0xba: {  	[tilespmem:s31], [sflag:$0x1] =	stream.strided.gather [hbm4b:s29+s16], $0x800, s15, s16, $0x38;
	[tilespmem:$0x12880] =	vst v63  }
0xbb: {  	s31 =	sld [smem:$0x7FA];
	s29 =	spop (v2sf)  }
0xbc: {  	s29 =	sand.u32 $0x1FFFFF80, s29  }
0xbd: {  	s29 =	sadd.s32 s1, s29  }
0xbe: {  	[tilespmem:s31], [sflag:$0x1] =	stream.strided.gather [hbm4b:s29+s16], $0x800, s15, s16, $0x38;
	[tilespmem:$0x12880] =	vst v63  }
0xbf: {  	s29 =	spop (v2sf);
	s31 =	sld [smem:$0x7FB]  }
0xc0: {  	s29 =	sand.u32 $0x1FFFFF80, s29  }
0xc1: {  	s29 =	sadd.s32 s3, s29  }
0xc2: {  	[tilespmem:s31], [sflag:$0x1] =	stream.strided.gather [hbm4b:s29+s16], $0x800, s15, s16, $0x38;
	[tilespmem:$0x12880] =	vst v63  }
0xc3: {  	s29 =	spop (v2sf);
	s31 =	sld [smem:$0x7FC]  }
0xc4: {  	s29 =	sand.u32 $0x1FFFFF80, s29  }
0xc5: {  	s29 =	sadd.s32 s1, s29  }
0xc6: {  	[tilespmem:s31], [sflag:$0x1] =	stream.strided.gather [hbm4b:s29+s16], $0x800, s15, s16, $0x38;
	[tilespmem:$0x12880] =	vst v63  }
0xc7: {  	s29 =	spop (v2sf);
	s31 =	sld [smem:$0x7FD]  }
0xc8: {  	s29 =	sand.u32 $0x1FFFFF80, s29  }
0xc9: {  	s29 =	sadd.s32 s3, s29  }
0xca: {  	[tilespmem:s31], [sflag:$0x1] =	stream.strided.gather [hbm4b:s29+s16], $0x800, s15, s16, $0x38;
	[tilespmem:$0x12880] =	vst v63  }
0xcb: {  	_ =	swait.ge [sflag:s14], $0x800  }
0xcc: {  	[sflag:s14] =	ssyncset.done $0x0  }
0xcd: {  	[sflag:s14] =	ssyncadd.s32 $0xFFFFF800  }
0xce: {  	_ =	swait.ge [sflag:s14], $0x800  }
0xcf: {  	[sflag:s14] =	ssyncset.done $0x0  }
0xd0: {  	[sflag:s14] =	ssyncadd.s32 $0xFFFFF800  }
0xd1: {  	_ =	swait.ge [sflag:s14], $0x800  }
0xd2: {  	[sflag:s14] =	ssyncset.done $0x0  }
0xd3: {  	[sflag:s14] =	ssyncadd.s32 $0xFFFFF800  }
0xd4: {  	_ =	swait.ge [sflag:s14], $0x800  }
0xd5: {  	[sflag:s14] =	ssyncset.done $0x0  }
0xd6: {  	[sflag:s14] =	ssyncadd.s32 $0xFFFFF800  }
0xd7: {  	_ =	swait.ge [sflag:s14], $0x800  }
0xd8: {  	[sflag:s14] =	ssyncset.done $0x0  }
0xd9: {  	[sflag:s14] =	ssyncadd.s32 $0xFFFFF800  }
0xda: {  	_ =	swait.ge [sflag:s14], $0x800  }
0xdb: {  	[sflag:s14] =	ssyncset.done $0x0  }
0xdc: {  	[sflag:s14] =	ssyncadd.s32 $0xFFFFF800  }
0xdd: {  	_ =	swait.ge [sflag:s14], $0x800  }
0xde: {  	[sflag:s14] =	ssyncset.done $0x0  }
0xdf: {  	[sflag:s14] =	ssyncadd.s32 $0xFFFFF800  }
0xe0: {  	_ =	swait.ge [sflag:s14], $0x800  }
0xe1: {  	[sflag:s14] =	ssyncset.done $0x0  }
0xe2: {  	[sflag:s14] =	ssyncadd.s32 $0xFFFFF800  }
0xe3: {  	_ =	swait.ge [sflag:s14], $0x800  }
0xe4: {  	[sflag:s14] =	ssyncset.done $0x0  }
0xe5: {  	[sflag:s14] =	ssyncadd.s32 $0xFFFFF800  }
0xe6: {  	_ =	swait.ge [sflag:s14], $0x800  }
0xe7: {  	[sflag:s14] =	ssyncset.done $0x0  }
0xe8: {  	[sflag:s14] =	ssyncadd.s32 $0xFFFFF800  }
0xe9: {  	_ =	swait.ge [sflag:s14], $0x800  }
0xea: {  	[sflag:s14] =	ssyncset.done $0x0  }
0xeb: {  	[sflag:s14] =	ssyncadd.s32 $0xFFFFF800  }
0xec: {  	_ =	swait.ge [sflag:s14], $0x800  }
0xed: {  	[sflag:s14] =	ssyncset.done $0x0  }
0xee: {  	[sflag:s14] =	ssyncadd.s32 $0xFFFFF800  }
0xef: {  	_ =	swait.ge [sflag:s14], $0x800  }
0xf0: {  	[sflag:s14] =	ssyncset.done $0x0  }
0xf1: {  	[sflag:s14] =	ssyncadd.s32 $0xFFFFF800  }
0xf2: {  	_ =	swait.ge [sflag:s14], $0x800  }
0xf3: {  	[sflag:s14] =	ssyncset.done $0x0  }
0xf4: {  	[sflag:s14] =	ssyncadd.s32 $0xFFFFF800  }
0xf5: {  	_ =	swait.ge [sflag:s14], $0x800  }
0xf6: {  	[sflag:s14] =	ssyncset.done $0x0  }
0xf7: {  	[sflag:s14] =	ssyncadd.s32 $0xFFFFF800  }
0xf8: {  	_ =	swait.ge [sflag:s14], $0x800  }
0xf9: {  	[sflag:s14] =	ssyncset.done $0x0  }
0xfa: {  	[sflag:s14] =	ssyncadd.s32 $0xFFFFF800  }
0xfb: {  	_ =	swait.ge [sflag:s14], $0x800  }
0xfc: {  	[sflag:s14] =	ssyncset.done $0x0  }
0xfd: {  	[sflag:s14] =	ssyncadd.s32 $0xFFFFF800  }
0xfe: {  	_ =	swait.ge [sflag:s14], $0x800  }
0xff: {  	[sflag:s14] =	ssyncset.done $0x0  }
0x100: {  	[sflag:s14] =	ssyncadd.s32 $0xFFFFF800  }
0x101: {  	_ =	swait.ge [sflag:s14], $0x800  }
0x102: {  	[sflag:s14] =	ssyncset.done $0x0  }
0x103: {  	[sflag:s14] =	ssyncadd.s32 $0xFFFFF800  }
0x104: {  	_ =	swait.ge [sflag:s14], $0x800  }
0x105: {  	[sflag:s14] =	ssyncset.done $0x0  }
0x106: {  	[sflag:s14] =	ssyncadd.s32 $0xFFFFF800  }
0x107: {  	_ =	swait.ge [sflag:s14], $0x800  }
0x108: {  	[sflag:s14] =	ssyncset.done $0x0  }
0x109: {  	[sflag:s14] =	ssyncadd.s32 $0xFFFFF800  }
0x10a: {  	_ =	swait.ge [sflag:s14], $0x800  }
0x10b: {  	[sflag:s14] =	ssyncset.done $0x0  }
0x10c: {  	[sflag:s14] =	ssyncadd.s32 $0xFFFFF800  }
0x10d: {  	_ =	swait.ge [sflag:s14], $0x800  }
0x10e: {  	[sflag:s14] =	ssyncset.done $0x0  }
0x10f: {  	[sflag:s14] =	ssyncadd.s32 $0xFFFFF800  }
0x110: {  	_ =	swait.ge [sflag:s14], $0x800  }
0x111: {  	[sflag:s14] =	ssyncset.done $0x0  }
0x112: {  	[sflag:s14] =	ssyncadd.s32 $0xFFFFF800  }
0x113: {  	_ =	swait.ge [sflag:s14], $0x800  }
0x114: {  	[sflag:s14] =	ssyncset.done $0x0  }
0x115: {  	[sflag:s14] =	ssyncadd.s32 $0xFFFFF800  }
0x116: {  	_ =	swait.ge [sflag:s14], $0x800  }
0x117: {  	[sflag:s14] =	ssyncset.done $0x0  }
0x118: {  	[sflag:s14] =	ssyncadd.s32 $0xFFFFF800  }
0x119: {  	_ =	swait.ge [sflag:s14], $0x800  }
0x11a: {  	[sflag:s14] =	ssyncset.done $0x0  }
0x11b: {  	[sflag:s14] =	ssyncadd.s32 $0xFFFFF800  }
0x11c: {  	_ =	swait.ge [sflag:s14], $0x800  }
0x11d: {  	[sflag:s14] =	ssyncset.done $0x0  }
0x11e: {  	[sflag:s14] =	ssyncadd.s32 $0xFFFFF800  }
0x11f: {  	_ =	swait.ge [sflag:s14], $0x800  }
0x120: {  	[sflag:s14] =	ssyncset.done $0x0  }
0x121: {  	[sflag:s14] =	ssyncadd.s32 $0xFFFFF800  }
0x122: {  	_ =	swait.ge [sflag:s14], $0x800  }
0x123: {  	[sflag:s14] =	ssyncset.done $0x0  }
0x124: {  	[sflag:s14] =	ssyncadd.s32 $0xFFFFF800  }
0x125: {  	_ =	swait.ge [sflag:s14], $0x800  }
0x126: {  	[sflag:s14] =	ssyncset.done $0x0  }
0x127: {  	v18 =	vand.u32 $0x7F, v18;
	[sflag:s14] =	ssyncadd.s32 $0xFFFFF800  }
0x128: {  	v17 =	vand.u32 $0x7F, v17;
	v21 =	vor.u32 v0, v18;
	_ =	swait.ge [sflag:s14], $0x800  }
0x129: {  	v22 =	vor.u32 v0, v17;
	[sflag:s14] =	ssyncset.done $0x0  }
0x12a: {  	[sflag:s14] =	ssyncadd.s32 $0xFFFFF800  }
0x12b: {  	v19 =	vld [tilespmem:s23+$0x0]  }
0x12c: {  	v20 =	vld [tilespmem:s24+$0x0]  }
0x12d: {  	v21 =	vld.idx.msk [tilespmem:v21+s16+$0x0], $0xffff  }
0x12e: {  	v22 =	vld.idx.msk [tilespmem:v22+s17+$0x0], $0xffff;
	_ =	sdelay $0x4  }
0x12f: {  	v21 =	vadd.f32 v21, v19;
	v22 =	vadd.f32 v22, v20;
	_ =	sdelay $0x1  }
0x130: {  	v63 =	vor.u32 v1, v18;
	v21 =	vmul.f32 v22, v21  }
0x131: {  	v23 =	vor.u32 v1, v17  }
0x132: {  	s29 =	sand.u32 $0x70, s28;
	s31 =	sand.u32 $0xC00, s26;
	v21 =	vadd.f32 v21, v16  }
0x133: {  	s29 =	sor.u32 s29, s31  }
0x134: {  	[tilespmem:s29+$0x10880] =	vst v21  }
0x135: {  	v21 =	vld.idx.msk [tilespmem:v63+s16+$0x0], $0xffff  }
0x136: {  	v24 =	vld.idx.msk [tilespmem:v23+s17+$0x0], $0xffff;
	_ =	sdelay $0x4  }
0x137: {  	v21 =	vadd.f32 v21, v19;
	v22 =	vadd.f32 v24, v20;
	_ =	sdelay $0x1  }
0x138: {  	v25 =	vor.u32 v2, v18;
	v21 =	vmul.f32 v22, v21  }
0x139: {  	v26 =	vor.u32 v2, v17  }
0x13a: {  	v21 =	vadd.f32 v21, v16  }
0x13b: {  	s30 =	sadd.s32 $0x10880, s29  }
0x13c: {  	[tilespmem:s30+$0x80] =	vst v21  }
0x13d: {  	v21 =	vld.idx.msk [tilespmem:v25+s16+$0x0], $0xffff  }
0x13e: {  	v27 =	vld.idx.msk [tilespmem:v26+s17+$0x0], $0xffff;
	_ =	sdelay $0x4  }
0x13f: {  	v21 =	vadd.f32 v21, v19;
	v22 =	vadd.f32 v27, v20;
	_ =	sdelay $0x1  }
0x140: {  	v28 =	vor.u32 v3, v18;
	v21 =	vmul.f32 v22, v21  }
0x141: {  	v29 =	vor.u32 v3, v17  }
0x142: {  	v21 =	vadd.f32 v21, v16;
	_ =	sdelay $0x1  }
0x143: {  	[tilespmem:s30+$0x100] =	vst v21  }
0x144: {  	v21 =	vld.idx.msk [tilespmem:v28+s16+$0x0], $0xffff  }
0x145: {  	v30 =	vld.idx.msk [tilespmem:v29+s17+$0x0], $0xffff;
	_ =	sdelay $0x4  }
0x146: {  	v21 =	vadd.f32 v21, v19;
	v22 =	vadd.f32 v30, v20;
	_ =	sdelay $0x1  }
0x147: {  	v31 =	vor.u32 v4, v18;
	v21 =	vmul.f32 v22, v21  }
0x148: {  	v32 =	vor.u32 v4, v17  }
0x149: {  	v21 =	vadd.f32 v21, v16;
	_ =	sdelay $0x1  }
0x14a: {  	[tilespmem:s30+$0x180] =	vst v21  }
0x14b: {  	v21 =	vld.idx.msk [tilespmem:v31+s16+$0x0], $0xffff  }
0x14c: {  	v33 =	vld.idx.msk [tilespmem:v32+s17+$0x0], $0xffff;
	_ =	sdelay $0x4  }
0x14d: {  	v21 =	vadd.f32 v21, v19;
	v22 =	vadd.f32 v33, v20;
	_ =	sdelay $0x1  }
0x14e: {  	v34 =	vor.u32 v5, v18;
	v21 =	vmul.f32 v22, v21  }
0x14f: {  	v35 =	vor.u32 v5, v17  }
0x150: {  	v21 =	vadd.f32 v21, v16;
	_ =	sdelay $0x1  }
0x151: {  	[tilespmem:s30+$0x200] =	vst v21  }
0x152: {  	v21 =	vld.idx.msk [tilespmem:v34+s16+$0x0], $0xffff  }
0x153: {  	v36 =	vld.idx.msk [tilespmem:v35+s17+$0x0], $0xffff;
	_ =	sdelay $0x4  }
0x154: {  	v21 =	vadd.f32 v21, v19;
	v22 =	vadd.f32 v36, v20;
	_ =	sdelay $0x1  }
0x155: {  	v37 =	vor.u32 v6, v18;
	v21 =	vmul.f32 v22, v21  }
0x156: {  	v38 =	vor.u32 v6, v17  }
0x157: {  	v21 =	vadd.f32 v21, v16;
	_ =	sdelay $0x1  }
0x158: {  	[tilespmem:s30+$0x280] =	vst v21  }
0x159: {  	v21 =	vld.idx.msk [tilespmem:v37+s16+$0x0], $0xffff  }
0x15a: {  	v39 =	vld.idx.msk [tilespmem:v38+s17+$0x0], $0xffff;
	_ =	sdelay $0x4  }
0x15b: {  	v21 =	vadd.f32 v21, v19;
	v22 =	vadd.f32 v39, v20;
	_ =	sdelay $0x1  }
0x15c: {  	v40 =	vor.u32 v7, v18;
	v21 =	vmul.f32 v22, v21  }
0x15d: {  	v41 =	vor.u32 v7, v17  }
0x15e: {  	v21 =	vadd.f32 v21, v16;
	_ =	sdelay $0x1  }
0x15f: {  	[tilespmem:s30+$0x300] =	vst v21  }
0x160: {  	v21 =	vld.idx.msk [tilespmem:v40+s16+$0x0], $0xffff  }
0x161: {  	v42 =	vld.idx.msk [tilespmem:v41+s17+$0x0], $0xffff;
	_ =	sdelay $0x4  }
0x162: {  	v21 =	vadd.f32 v21, v19;
	v22 =	vadd.f32 v42, v20;
	_ =	sdelay $0x1  }
0x163: {  	v43 =	vor.u32 v8, v18;
	v21 =	vmul.f32 v22, v21  }
0x164: {  	v44 =	vor.u32 v8, v17  }
0x165: {  	s31 =	sor.u32 s26, s28;
	v21 =	vadd.f32 v21, v16  }
0x166: {  	s30 =	sor.u32 $0x380, s31  }
0x167: {  	[tilespmem:s30+$0x10880] =	vst v21  }
0x168: {  	v21 =	vld.idx.msk [tilespmem:v43+s16+$0x0], $0xffff  }
0x169: {  	v45 =	vld.idx.msk [tilespmem:v44+s17+$0x0], $0xffff;
	_ =	sdelay $0x4  }
0x16a: {  	v21 =	vadd.f32 v21, v19;
	v22 =	vadd.f32 v45, v20;
	_ =	sdelay $0x1  }
0x16b: {  	v46 =	vor.u32 v9, v18;
	v21 =	vmul.f32 v22, v21  }
0x16c: {  	v47 =	vor.u32 v9, v17  }
0x16d: {  	v21 =	vadd.f32 v21, v16;
	_ =	sdelay $0x1  }
0x16e: {  	[tilespmem:s29+$0x11880] =	vst v21  }
0x16f: {  	v21 =	vld.idx.msk [tilespmem:v46+s16+$0x0], $0xffff  }
0x170: {  	v48 =	vld.idx.msk [tilespmem:v47+s17+$0x0], $0xffff;
	_ =	sdelay $0x4  }
0x171: {  	v21 =	vadd.f32 v21, v19;
	v22 =	vadd.f32 v48, v20;
	_ =	sdelay $0x1  }
0x172: {  	v49 =	vor.u32 v10, v18;
	v21 =	vmul.f32 v22, v21  }
0x173: {  	v50 =	vor.u32 v10, v17  }
0x174: {  	v21 =	vadd.f32 v21, v16;
	_ =	sdelay $0x1  }
0x175: {  	[tilespmem:s29+$0x11900] =	vst v21  }
0x176: {  	v21 =	vld.idx.msk [tilespmem:v49+s16+$0x0], $0xffff  }
0x177: {  	v51 =	vld.idx.msk [tilespmem:v50+s17+$0x0], $0xffff;
	_ =	sdelay $0x4  }
0x178: {  	v21 =	vadd.f32 v21, v19;
	v22 =	vadd.f32 v51, v20;
	_ =	sdelay $0x1  }
0x179: {  	v52 =	vor.u32 v11, v18;
	v21 =	vmul.f32 v22, v21  }
0x17a: {  	v53 =	vor.u32 v11, v17  }
0x17b: {  	v21 =	vadd.f32 v21, v16;
	_ =	sdelay $0x1  }
0x17c: {  	[tilespmem:s29+$0x11980] =	vst v21  }
0x17d: {  	v21 =	vld.idx.msk [tilespmem:v52+s16+$0x0], $0xffff  }
0x17e: {  	v54 =	vld.idx.msk [tilespmem:v53+s17+$0x0], $0xffff;
	_ =	sdelay $0x4  }
0x17f: {  	v21 =	vadd.f32 v21, v19;
	v22 =	vadd.f32 v54, v20;
	_ =	sdelay $0x1  }
0x180: {  	v55 =	vor.u32 v12, v18;
	v21 =	vmul.f32 v22, v21  }
0x181: {  	v56 =	vor.u32 v12, v17  }
0x182: {  	v21 =	vadd.f32 v21, v16;
	_ =	sdelay $0x1  }
0x183: {  	[tilespmem:s29+$0x11A00] =	vst v21  }
0x184: {  	v21 =	vld.idx.msk [tilespmem:v55+s16+$0x0], $0xffff  }
0x185: {  	v57 =	vld.idx.msk [tilespmem:v56+s17+$0x0], $0xffff;
	_ =	sdelay $0x4  }
0x186: {  	v21 =	vadd.f32 v21, v19;
	v22 =	vadd.f32 v57, v20;
	_ =	sdelay $0x1  }
0x187: {  	v58 =	vor.u32 v13, v18;
	v21 =	vmul.f32 v22, v21  }
0x188: {  	v59 =	vor.u32 v13, v17  }
0x189: {  	v21 =	vadd.f32 v21, v16;
	_ =	sdelay $0x1  }
0x18a: {  	[tilespmem:s29+$0x11A80] =	vst v21  }
0x18b: {  	v21 =	vld.idx.msk [tilespmem:v58+s16+$0x0], $0xffff  }
0x18c: {  	v60 =	vld.idx.msk [tilespmem:v59+s17+$0x0], $0xffff;
	_ =	sdelay $0x4  }
0x18d: {  	v21 =	vadd.f32 v21, v19;
	v22 =	vadd.f32 v60, v20;
	_ =	sdelay $0x1  }
0x18e: {  	v61 =	vor.u32 v14, v18;
	v21 =	vmul.f32 v22, v21  }
0x18f: {  	v62 =	vor.u32 v14, v17  }
0x190: {  	v21 =	vadd.f32 v21, v16;
	_ =	sdelay $0x1  }
0x191: {  	[tilespmem:s29+$0x11B00] =	vst v21  }
0x192: {  	v21 =	vld.idx.msk [tilespmem:v61+s16+$0x0], $0xffff  }
0x193: {  	v63 =	vld.idx.msk [tilespmem:v62+s17+$0x0], $0xffff;
	_ =	sdelay $0x4  }
0x194: {  	v21 =	vadd.f32 v21, v19;
	v22 =	vadd.f32 v63, v20;
	_ =	sdelay $0x1  }
0x195: {  	v18 =	vor.u32 v15, v18;
	v21 =	vmul.f32 v22, v21  }
0x196: {  	v17 =	vor.u32 v15, v17  }
0x197: {  	v21 =	vadd.f32 v21, v16;
	_ =	sdelay $0x1  }
0x198: {  	[tilespmem:s29+$0x11B80] =	vst v21  }
0x199: {  	v18 =	vld.idx.msk [tilespmem:v18+s16+$0x0], $0xffff  }
0x19a: {  	v17 =	vld.idx.msk [tilespmem:v17+s17+$0x0], $0xffff;
	_ =	sdelay $0x4  }
0x19b: {  	v18 =	vadd.f32 v18, v19;
	v17 =	vadd.f32 v17, v20  }
0x19c: {  	p0 =	sne.s32 s28, $0x1F0  }
.Ltmp0:
0x19d: {  	v17 =	vmul.f32 v17, v18;
	(pc) =	sbr.rel @p0 .LBB2_2-.Ltmp0, $4  }
0x19e: {  	_ = 	snop  }
0x19f: {  	v17 =	vadd.f32 v17, v16  }
0x1a0: {  	s25 =	sadd.s32 $0x10, s25;
	s22 =	sadd.s32 $0x10, s22;
	s26 =	sadd.s32 $0x80, s26  }
0x1a1: {  	s28 =	sadd.s32 $0x10, s28;
	s23 =	sadd.s32 $0x10, s23;
	s24 =	sadd.s32 $0x10, s24;
	[tilespmem:s29+$0x11C00] =	vst v17  }
0x1a2: {  	s21 =	sadd.s32 $0x1, s21  }
0x1a3: {  	p0 =	sne.s32 s21, s11  }
.Ltmp1:
0x1a4: {  	_ = 	snop;
	(pc) =	sbr.rel @p0 .LBB2_1-.Ltmp1, $4  }
0x1a5: {  	[hbm4b:s10+s18] =	stream.strided.scatter [tilespmem:s20], [sflag:$0x2], $0x2000, s19, s18, $0x38;
	[tilespmem:$0x12880] =	vst v63  }
0x1a6: {  	_ =	swait.ge [sflag:s12], $0x2000  }
0x1a7: {  	[sflag:s12] =	ssyncset.done $0x0  }
0x1a8: {  	[sflag:s12] =	ssyncadd.s32 $0xFFFFE000  }
0x1a9: {  	_ =	sfence.sel $0x180000  }
0x1aa: {  	[bflag:$0x0] =	sbarrier.arrive $0xFFFF  }
0x1ab: {  	p0 =	sne.s32 s7, $0x0;
	_ =	strace $0x90000047  }
0x1ac: {  	s0 =	sadd.s32 @!p0 $0x100000, s0;
	[bflag:$0x2] =	sbarrier.arrive $0xFFFF  }
0x1ad: {  	[sflag:s0] =	ssyncadd.tile.s32 @!p0 $0x1;
	_ =	shalt  }
.Lfunc_end2:
_tile_overlayer_lowered:
.L_overlay_start_2:
0x1ae: {  	(tag) =	ssettag $0x2  }
0x1af: {  	s0 =	rddreg [dreg:$0x0];
	s2 =	stileid.u32  }
0x1b0: {  	s1 =	rddreg [dreg:$0x1];
	p0 =	sne.s32 s2, $0x0  }
0x1b1: {  	s3 =	rddreg [dreg:$0x2];
	[bflag:$0x3] =	sbarrier.arrive $0xFFFF;
	s2 =	simm.s32 @!p0 $0x1C02  }
0x1b2: {  	[timem:s3], [sflag:s2] =	dma.local @!p0 [hbm:s0], s1  }
0x1b3: {  	s0 =	simm.s32 @!p0 $0x2  }
0x1b4: {  	_ =	swait.ge @!p0 [sflag:s0], s1  }
0x1b5: {  	s1 =	ssub.s32 @!p0 $0x0, s1;
	[sflag:s0] =	ssyncset.done @!p0 $0x0  }
0x1b6: {  	[sflag:s0] =	ssyncadd.s32 @!p0 s1  }
0x1b7: {  	[bflag:$0x3] =	sbarrier.arrive $0xFFFF  }
0x1b8: {  	_ =	shalt  }

</sc_bundles>
